<compile_context>
chip_gen: v7x
topology: tpu7x:2x2x1
jax: 0.10.2.dev20260603
libtpu: 0.0.44.dev20260713+nightly
codegen_flags: <defaults>
</compile_context>

<pallas_src>
import functools

import jax
import jax.numpy as jnp
from jax import lax
from jax.experimental import pallas as pl
from jax.experimental.pallas import tpu as pltpu
from jax.experimental.pallas import tpu_sc as plsc

_N = 10000
_E = 320000
_D = 128
_DE = 16
_NC = 2
_NS = 16
_NW = _NC * _NS
_C = 80
_EPW = _E // _NW
_NCH = _EPW // _C
_NPAD = 10240
_ZPT = _NPAD // _NS
_RPT = _NPAD // _NS
_EB = 16000
_GE = _E // _EB


def _dot_t(a, b):
    return lax.dot_general(a, b, (((1,), (1,)), ((), ())),
                           preferred_element_type=jnp.float32)


def _k1_body(x_ref, w1_ref, wg_ref, b1_ref, h_ref, xw_ref):
    xv = x_ref[...]
    h_ref[...] = _dot_t(xv, w1_ref[...]) + b1_ref[...]
    xw_ref[...] = _dot_t(xv, wg_ref[...])


def _dense_pre(x, lin1_W, gcn_W, lin1_b):
    return pl.pallas_call(
        _k1_body,
        out_shape=(jax.ShapeDtypeStruct((_N, _D), jnp.float32),
                   jax.ShapeDtypeStruct((_N, _D), jnp.float32)),
    )(x, lin1_W, gcn_W, lin1_b)


def _sc_mesh():
    return plsc.VectorSubcoreMesh(core_axis_name="c", subcore_axis_name="s")


def _sc_gather_relu(h, src3, dst3):
    @functools.partial(
        pl.kernel,
        out_type=jax.ShapeDtypeStruct((_E, _D), jnp.float32),
        mesh=_sc_mesh(),
        scratch_types=[
            pltpu.VMEM((_NCH, _C), jnp.int32),
            pltpu.VMEM((_NCH, _C), jnp.int32),
            pltpu.VMEM((_C, _D), jnp.float32),
            pltpu.VMEM((_C, _D), jnp.float32),
            pltpu.SemaphoreType.DMA,
            pltpu.SemaphoreType.DMA,
        ],
    )
    def k(h_hbm, src_hbm, dst_hbm, s_hbm, sidx, didx, b1, b2, sem1, sem2):
        wid = lax.axis_index("c") * _NS + lax.axis_index("s")
        pltpu.sync_copy(src_hbm.at[wid], sidx)
        pltpu.sync_copy(dst_hbm.at[wid], didx)
        ebase = pl.multiple_of(wid * _EPW, _C)

        def chunk(i, carry):
            c1 = pltpu.async_copy(h_hbm.at[sidx.at[i]], b1, sem1)
            c2 = pltpu.async_copy(h_hbm.at[didx.at[i]], b2, sem2)
            c1.wait()
            c2.wait()

            def row(r, carry2):
                for j in range(_D // 16):
                    sl = pl.ds(j * 16, 16)
                    b1[r, sl] = jnp.maximum(b1[r, sl] + b2[r, sl], 0.0)
                return carry2

            lax.fori_loop(0, _C, row, 0)
            pltpu.sync_copy(b1, s_hbm.at[pl.ds(ebase + i * _C, _C)])
            return carry

        lax.fori_loop(0, _NCH, chunk, 0)

    return k(h, src3, dst3)


def _k4_body(s_ref, ea_ref, efe_ref, wem_ref, wea_ref, wef_ref,
             raw_ref, st_ref):
    i = pl.program_id(0)
    raw = (_dot_t(s_ref[...], wem_ref[...])
           + _dot_t(ea_ref[...], wea_ref[...])
           + _dot_t(efe_ref[...], wef_ref[...]))
    raw_ref[...] = raw

    @pl.when(i == 0)
    def _():
        st_ref[...] = jnp.zeros_like(st_ref)

    st_ref[0, :] += jnp.sum(raw, axis=0)
    st_ref[1, :] += jnp.sum(raw * raw, axis=0)


_EB4 = 4000
_GE4 = _E // _EB4


def _edge_mlp(s, edge_attr, edge_f, wem, wea, wef):
    return pl.pallas_call(
        _k4_body,
        grid=(_GE4,),
        in_specs=[
            pl.BlockSpec((_EB4, _D), lambda i: (i, 0)),
            pl.BlockSpec((_EB4, _DE), lambda i: (i, 0)),
            pl.BlockSpec((_EB4, _DE), lambda i: (i, 0)),
            pl.BlockSpec((_DE, _D), lambda i: (0, 0)),
            pl.BlockSpec((_DE, _DE), lambda i: (0, 0)),
            pl.BlockSpec((_DE, _DE), lambda i: (0, 0)),
        ],
        out_specs=(pl.BlockSpec((_EB4, _DE), lambda i: (i, 0)),
                   pl.BlockSpec((2, _DE), lambda i: (0, 0))),
        out_shape=(jax.ShapeDtypeStruct((_E, _DE), jnp.float32),
                   jax.ShapeDtypeStruct((2, _DE), jnp.float32)),
    )(s, edge_attr, edge_f, wem, wea, wef)


def _k5_body(raw_ref, st_ref, g_ref, b_ref, lw_ref, lwb_ref, ea_ref,
             selb_ref, oef_ref, ew_ref):
    mu = st_ref[0, :] / _E
    var = st_ref[1, :] / _E - mu * mu
    rstd = lax.rsqrt(var + 1e-5)
    sc16 = rstd * g_ref[...]
    sh16 = b_ref[...] - mu * sc16
    sc128 = jnp.tile(sc16, 8)
    sh128 = jnp.tile(sh16, 8)
    ef = jnp.maximum(raw_ref[...] * sc128 + sh128, 0.0)
    oef_ref[...] = ef + ea_ref[...]
    w128 = jnp.tile(lw_ref[0, :], 8)
    ewv = lax.dot_general(ef * w128, selb_ref[...], (((1,), (0,)), ((), ())),
                          preferred_element_type=jnp.float32) + lwb_ref[0]
    ew_ref[...] = jnp.maximum(ewv, 0.0)


def _edge_bn(raw2, stats, gamma, beta, linw_W, linw_b, ea2, selb):
    e8 = _E // 8
    eb8 = _EB // 8
    return pl.pallas_call(
        _k5_body,
        grid=(_GE,),
        in_specs=[
            pl.BlockSpec((eb8, 128), lambda i: (i, 0)),
            pl.BlockSpec((2, _DE), lambda i: (0, 0)),
            pl.BlockSpec((_DE,), lambda i: (0,)),
            pl.BlockSpec((_DE,), lambda i: (0,)),
            pl.BlockSpec((1, _DE), lambda i: (0, 0)),
            pl.BlockSpec((1,), lambda i: (0,)),
            pl.BlockSpec((eb8, 128), lambda i: (i, 0)),
            pl.BlockSpec((128, 8), lambda i: (0, 0)),
        ],
        out_specs=(pl.BlockSpec((eb8, 128), lambda i: (i, 0)),
                   pl.BlockSpec((eb8, 8), lambda i: (i, 0))),
        out_shape=(jax.ShapeDtypeStruct((e8, 128), jnp.float32),
                   jax.ShapeDtypeStruct((e8, 8), jnp.float32)),
    )(raw2, stats, gamma, beta, linw_W, linw_b, ea2, selb)


def _sc_deg(dst3, ew3):
    @functools.partial(
        pl.kernel,
        out_type=jax.ShapeDtypeStruct((_NC, _NPAD), jnp.float32),
        mesh=_sc_mesh(),
        scratch_types=[
            pltpu.VMEM((_NCH, _C), jnp.int32),
            pltpu.VMEM((_NCH, _C), jnp.float32),
            pltpu.VMEM((_ZPT,), jnp.float32),
            pltpu.VMEM_SHARED((_NPAD,), jnp.float32),
        ],
    )
    def k(dst_hbm, ew_hbm, out_hbm, didx, ewv, zb, degs):
        cid = lax.axis_index("c")
        sid = lax.axis_index("s")
        wid = cid * _NS + sid
        pltpu.sync_copy(dst_hbm.at[wid], didx)
        pltpu.sync_copy(ew_hbm.at[wid], ewv)
        for j in range(_ZPT // 16):
            zb[pl.ds(j * 16, 16)] = jnp.zeros((16,), jnp.float32)
        zbase = pl.multiple_of(sid * _ZPT, 8)
        pltpu.sync_copy(zb, degs.at[pl.ds(zbase, _ZPT)])
        plsc.subcore_barrier()

        def chunk(i, carry):
            pltpu.sync_copy(ewv.at[i], degs.at[didx.at[i]], add=True)
            return carry

        lax.fori_loop(0, _NCH, chunk, 0)
        plsc.subcore_barrier()
        pltpu.sync_copy(degs.at[pl.ds(zbase, _ZPT)],
                        out_hbm.at[cid, pl.ds(zbase, _ZPT)])

    return k(dst3, ew3)


def _k7_body(dp_ref, dinv_ref):
    deg = dp_ref[0] + dp_ref[1] + 1.0
    dinv_ref[...] = lax.rsqrt(deg)


def _deg_to_dinv(degp3):
    return pl.pallas_call(
        _k7_body,
        out_shape=jax.ShapeDtypeStruct((_NPAD // 128, 128), jnp.float32),
    )(degp3)


_CB = 25
_NB = _NCH // _CB


def _k7b_body(dv_ref, xw_ref, t_ref, u_ref):
    t = dv_ref[...] * xw_ref[...]
    t_ref[...] = t
    u_ref[...] = dv_ref[...] * t


def _scale_xw(dinv2, xw):
    return pl.pallas_call(
        _k7b_body,
        out_shape=(jax.ShapeDtypeStruct((_N, _D), jnp.float32),
                   jax.ShapeDtypeStruct((_N, _D), jnp.float32)),
    )(dinv2, xw)


def _dyn_splat16(vec16, lane):
    return lax.gather(
        vec16, jnp.full((16, 1), lane, jnp.int32),
        lax.GatherDimensionNumbers(offset_dims=(),
                                   collapsed_slice_dims=(0,),
                                   start_index_map=(0,)),
        slice_sizes=(1,),
        mode=lax.GatherScatterMode.PROMISE_IN_BOUNDS)


def _sc_agg(t, src4, dst4, ew4, zrows):
    @functools.partial(
        pl.kernel,
        out_type=jax.ShapeDtypeStruct((_NC, _NPAD, _D), jnp.float32),
        mesh=_sc_mesh(),
        scratch_types=[
            pltpu.VMEM((_CB, _C), jnp.int32),
            pltpu.VMEM((_CB, _C), jnp.int32),
            pltpu.VMEM((_CB, _C), jnp.float32),
            pltpu.VMEM((_C, _D), jnp.float32),
            pltpu.VMEM_SHARED((_NPAD, _D), jnp.float32),
            pltpu.SemaphoreType.DMA,
        ],
    )
    def k(t_hbm, src_hbm, dst_hbm, ew_hbm, z_hbm, out_hbm,
          sidx, didx, ewv, gb, aggs, sem):
        cid = lax.axis_index("c")
        sid = lax.axis_index("s")
        wid = cid * _NS + sid
        rbase = pl.multiple_of(sid * _RPT, 8)
        pltpu.sync_copy(z_hbm, aggs.at[pl.ds(rbase, _RPT)])
        plsc.subcore_barrier()

        def block(b, carry):
            pltpu.sync_copy(src_hbm.at[wid, b], sidx)
            pltpu.sync_copy(dst_hbm.at[wid, b], didx)
            pltpu.sync_copy(ew_hbm.at[wid, b], ewv)

            def chunk(i, carry1):
                pltpu.async_copy(t_hbm.at[sidx.at[i]], gb, sem).wait()

                def grp(g, carry2):
                    gv = ewv[i, pl.ds(g * 16, 16)]

                    def lane(t2, carry3):
                        r = g * 16 + t2
                        splat = _dyn_splat16(gv, t2)
                        for j in range(_D // 16):
                            sl = pl.ds(j * 16, 16)
                            gb[r, sl] = gb[r, sl] * splat
                        return carry3

                    lax.fori_loop(0, 16, lane, 0)
                    return carry2

                lax.fori_loop(0, _C // 16, grp, 0)
                pltpu.sync_copy(gb, aggs.at[didx.at[i]], add=True)
                return carry1

            lax.fori_loop(0, _CB, chunk, 0)
            return carry

        lax.fori_loop(0, _NB, block, 0)
        plsc.subcore_barrier()
        pltpu.sync_copy(aggs.at[pl.ds(rbase, _RPT)],
                        out_hbm.at[cid, pl.ds(rbase, _RPT)])

    return k(t, src4, dst4, ew4, zrows)


def _k9_body(ap_ref, dv_ref, u_ref, x_ref, g_ref, b_ref, o_ref):
    agg = dv_ref[...] * (ap_ref[0, :_N] + ap_ref[1, :_N]) + u_ref[...]
    mu = jnp.mean(agg, axis=0)
    var = jnp.mean((agg - mu) ** 2, axis=0)
    x1 = jnp.maximum((agg - mu) * lax.rsqrt(var + 1e-5) * g_ref[...]
                     + b_ref[...], 0.0)
    o_ref[...] = x1 + x_ref[...]


def _node_bn(aggp, dinv2, u, x, gamma, beta):
    return pl.pallas_call(
        _k9_body,
        out_shape=jax.ShapeDtypeStruct((_N, _D), jnp.float32),
    )(aggp, dinv2, u, x, gamma, beta)


def kernel(x, edge_index, edge_f, edge_attr, lin1_W, lin1_b, lin2_W, lin2_b,
           linw_W, linw_b, gcn_W, gcn_b, bn_e_gamma, bn_e_beta,
           bn_n_gamma, bn_n_beta):
    src = edge_index[0]
    dst = edge_index[1]
    src3 = src.reshape(_NW, _NCH, _C)
    dst3 = dst.reshape(_NW, _NCH, _C)

    h, xw = _dense_pre(x, lin1_W, gcn_W, lin1_b)
    s = _sc_gather_relu(h, src3, dst3)

    wem = lin2_W[:, :_D]
    wea = lin2_W[:, _D:_D + _DE]
    wef = lin2_W[:, _D + _DE:]
    raw, stats = _edge_mlp(s, edge_attr, edge_f, wem, wea, wef)

    raw2 = raw.reshape(_E // 8, 128)
    ea2 = edge_attr.reshape(_E // 8, 128)
    selb = (jnp.arange(128, dtype=jnp.int32)[:, None] // _DE
            == jnp.arange(8, dtype=jnp.int32)[None, :]).astype(jnp.float32)
    oef2, ew2 = _edge_bn(raw2, stats, bn_e_gamma, bn_e_beta,
                         linw_W, linw_b, ea2, selb)
    out_ef = oef2.reshape(_E, _DE)
    ew3 = ew2.reshape(_NW, _NCH, _C)

    degp = _sc_deg(dst3, ew3)
    dinv80 = _deg_to_dinv(degp.reshape(_NC, _NPAD // 128, 128))
    dinv2 = dinv80.reshape(_NPAD)[:_N].reshape(_N, 1)

    t, u = _scale_xw(dinv2, xw)
    src4 = src.reshape(_NW, _NB, _CB, _C)
    dst4 = dst.reshape(_NW, _NB, _CB, _C)
    ew4 = ew2.reshape(_NW, _NB, _CB, _C)
    zrows = jnp.zeros((_RPT, _D), jnp.float32)
    aggp = _sc_agg(t, src4, dst4, ew4, zrows)
    out_x = _node_bn(aggp, dinv2, u, x, bn_n_gamma, bn_n_beta)
    return (out_x, out_ef)

# --- scband reference (transcript-rebuilt; emitter-appended) ---
"""Pipeline reference for scband-res-egblk-0-687194767629 (READ-ONLY COPY).

The authoritative reference and input builder live on the scoring server;
editing this copy changes nothing except your own understanding.
"""

import jax, jax.numpy as jnp
import numpy as np

N = 10000
E = 320000
D = 128      # node_in == node_out
DE = 16      # edge_in == edge_out
EF = 16      # Ef
IN2 = D + DE + EF  # Edgeconvf lin2 in_channels = N_hiddens + E_in + Ef


def setup_inputs(seed: int = 0) -> dict:
    key = jax.random.key(seed)
    ks = jax.random.split(key, 20)
    inp = {}
    inp["x"] = jax.random.normal(ks[0], (N, D), dtype=jnp.float32)
    inp["edge_index"] = jax.random.randint(ks[1], (2, E), 0, N, dtype=jnp.int32)
    inp["edge_f"] = jax.random.normal(ks[2], (E, EF), dtype=jnp.float32)
    inp["edge_attr"] = jax.random.normal(ks[3], (E, DE), dtype=jnp.float32)
    # learned parameters
    inp["lin1_W"] = jax.random.normal(ks[4], (D, D), dtype=jnp.float32) * 0.05
    inp["lin1_b"] = jnp.zeros((D,), dtype=jnp.float32)
    inp["lin2_W"] = jax.random.normal(ks[5], (DE, IN2), dtype=jnp.float32) * 0.05
    inp["lin2_b"] = jnp.zeros((DE,), dtype=jnp.float32)
    inp["linw_W"] = jax.random.normal(ks[6], (1, DE), dtype=jnp.float32) * 0.05
    inp["linw_b"] = jnp.zeros((1,), dtype=jnp.float32)
    inp["gcn_W"] = jax.random.normal(ks[7], (D, D), dtype=jnp.float32) * 0.05
    inp["gcn_b"] = jnp.zeros((D,), dtype=jnp.float32)
    inp["bn_e_gamma"] = jnp.ones((DE,), dtype=jnp.float32)
    inp["bn_e_beta"] = jnp.zeros((DE,), dtype=jnp.float32)
    inp["bn_n_gamma"] = jnp.ones((D,), dtype=jnp.float32)
    inp["bn_n_beta"] = jnp.zeros((D,), dtype=jnp.float32)
    return inp


def reference(x, edge_index, edge_f, edge_attr,
              lin1_W, lin1_b, lin2_W, lin2_b, linw_W, linw_b,
              gcn_W, gcn_b, bn_e_gamma, bn_e_beta, bn_n_gamma, bn_n_beta):
    n = x.shape[0]
    src = edge_index[0]
    dst = edge_index[1]

    # Edgeconvf (vectorized over the per-edge python loop):
    # x_em = relu(lin1(x_j) + lin1(x_i)); in = cat(x_em, edge_attr, edge_f); ef = lin2(in)
    h = x @ lin1_W.T + lin1_b
    x_em = jax.nn.relu(h[src] + h[dst])
    msg = jnp.concatenate([x_em, edge_attr, edge_f], axis=-1)
    ef = msg @ lin2_W.T + lin2_b

    # bn_e in training mode: batch statistics (biased variance)
    mu_e = jnp.mean(ef, axis=0)
    var_e = jnp.mean((ef - mu_e) ** 2, axis=0)
    ef = (ef - mu_e) / jnp.sqrt(var_e + 1e-5) * bn_e_gamma + bn_e_beta
    ef = jax.nn.relu(ef)

    # edge weights
    ew = jax.nn.relu(ef @ linw_W.T + linw_b)[:, 0]

    # GCNConv with edge weights: add self-loops (weight 1), symmetric normalization
    loop = jnp.arange(n, dtype=src.dtype)
    row = jnp.concatenate([src, loop])
    col = jnp.concatenate([dst, loop])
    w = jnp.concatenate([ew, jnp.ones((n,), dtype=ew.dtype)])
    deg = jax.ops.segment_sum(w, col, num_segments=n)
    dinv = jnp.where(deg > 0, 1.0 / jnp.sqrt(deg), 0.0)
    norm = dinv[row] * w * dinv[col]
    xw = x @ gcn_W.T
    agg = jnp.zeros((n, gcn_W.shape[0]), dtype=x.dtype).at[col].add(norm[:, None] * xw[row])
    agg = agg + gcn_b

    # bn_n + relu
    mu_n = jnp.mean(agg, axis=0)
    var_n = jnp.mean((agg - mu_n) ** 2, axis=0)
    x1 = (agg - mu_n) / jnp.sqrt(var_n + 1e-5) * bn_n_gamma + bn_n_beta
    x1 = jax.nn.relu(x1)

    # residuals (use_nodelin=False, use_edgelin=False)
    return (x1 + x, ef + edge_attr)


if False:  # reference __main__ guard neutralized (emitter)
    out = reference(**setup_inputs())
    print(out[0].shape, out[1].shape)

if __name__ == "__main__":
    import jax
    _d = setup_inputs()
    print(jax.jit(kernel)(*tuple(_d.values())))

</pallas_src>

<mosaic_0001>
#map = affine_map<(d0, d1) -> (0, 0)>
#map1 = affine_map<(d0, d1) -> (0, 0, 0)>
module attributes {stable_mosaic.version = 14 : i64} {
  func.func @k(%arg0: i32, %arg1: i32, %arg2: memref<10000x128xf32, #tpu.memory_space<hbm>>, %arg3: memref<32x125x80xi32, #tpu.memory_space<hbm>>, %arg4: memref<32x125x80xi32, #tpu.memory_space<hbm>>, %arg5: memref<320000x128xf32, #tpu.memory_space<hbm>>, %arg6: memref<125x80xi32, #tpu.memory_space<vmem>>, %arg7: memref<125x80xi32, #tpu.memory_space<vmem>>, %arg8: memref<80x128xf32, #tpu.memory_space<vmem>>, %arg9: memref<80x128xf32, #tpu.memory_space<vmem>>, %arg10: memref<!tpu.dma_semaphore, #tpu.memory_space<semaphore_mem>>, %arg11: memref<!tpu.dma_semaphore, #tpu.memory_space<semaphore_mem>>) attributes {dimension_semantics = [#tpu.dimension_semantics<core_parallel>, #tpu.dimension_semantics<subcore_parallel>], iteration_bounds = array<i64: 2, 16>, scalar_prefetch = 0 : i64, scratch_operands = 6 : i64, tpu.core_type = #tpu.core_type<sc_vector_subcore>, window_params = [{transform_indices = #map}, {transform_indices = #map1}, {transform_indices = #map1}, {transform_indices = #map}]} {
    %mul3A = arith.constant 16 : i32
    %mul3A_0 = arith.muli %arg0, %mul3A : i32
    %add3A = arith.addi %mul3A_0, %arg1 : i32
    "tpu.region"() ({
      %run_scoped3A = tpu.sem_alloc : memref<!tpu.dma_semaphore, #tpu.memory_space<semaphore_mem>>
      %dma_start3A = arith.constant 0 : i32
      %dma_start3A_8 = arith.constant 0 : i32
      %dma_start3A_9 = tpu.memref_slice %arg3[%add3A, %dma_start3A, %dma_start3A_8] : memref<32x125x80xi32, #tpu.memory_space<hbm>> -> memref<1x125x80xi32, #tpu.memory_space<hbm>>
      %dma_start3A_10 = tpu.memref_squeeze %dma_start3A_9 : memref<1x125x80xi32, #tpu.memory_space<hbm>> -> memref<125x80xi32, #tpu.memory_space<hbm>>
      %dma_start3A_11 = arith.constant 0 : i32
      %dma_start3A_12 = arith.constant 0 : i32
      %dma_start3A_13 = tpu.memref_slice %arg3[%add3A, %dma_start3A_11, %dma_start3A_12] : memref<32x125x80xi32, #tpu.memory_space<hbm>> -> memref<1x125x80xi32, #tpu.memory_space<hbm>>
      %dma_start3A_14 = tpu.memref_squeeze %dma_start3A_13 : memref<1x125x80xi32, #tpu.memory_space<hbm>> -> memref<125x80xi32, #tpu.memory_space<hbm>>
      tpu.enqueue_dma source(%dma_start3A_14 : memref<125x80xi32, #tpu.memory_space<hbm>>) target(%arg6 : memref<125x80xi32, #tpu.memory_space<vmem>>) target_semaphore(%run_scoped3A : memref<!tpu.dma_semaphore, #tpu.memory_space<semaphore_mem>>)
      %dma_wait3A = arith.constant 0 : i32
      %dma_wait3A_15 = arith.constant 0 : i32
      %dma_wait3A_16 = tpu.memref_slice %arg3[%add3A, %dma_wait3A, %dma_wait3A_15] : memref<32x125x80xi32, #tpu.memory_space<hbm>> -> memref<1x125x80xi32, #tpu.memory_space<hbm>>
      %dma_wait3A_17 = tpu.memref_squeeze %dma_wait3A_16 : memref<1x125x80xi32, #tpu.memory_space<hbm>> -> memref<125x80xi32, #tpu.memory_space<hbm>>
      %dma_wait3A_18 = arith.constant 0 : i32
      %dma_wait3A_19 = arith.constant 0 : i32
      %dma_wait3A_20 = tpu.memref_slice %arg3[%add3A, %dma_wait3A_18, %dma_wait3A_19] : memref<32x125x80xi32, #tpu.memory_space<hbm>> -> memref<1x125x80xi32, #tpu.memory_space<hbm>>
      %dma_wait3A_21 = tpu.memref_squeeze %dma_wait3A_20 : memref<1x125x80xi32, #tpu.memory_space<hbm>> -> memref<125x80xi32, #tpu.memory_space<hbm>>
      tpu.wait_dma2 semaphore(%run_scoped3A : memref<!tpu.dma_semaphore, #tpu.memory_space<semaphore_mem>>) src(%dma_wait3A_21 : memref<125x80xi32, #tpu.memory_space<hbm>>) dst(%arg6 : memref<125x80xi32, #tpu.memory_space<vmem>>)
      tpu.yield
    }) : () -> ()
    "tpu.region"() ({
      %run_scoped3A = tpu.sem_alloc : memref<!tpu.dma_semaphore, #tpu.memory_space<semaphore_mem>>
      %dma_start3A = arith.constant 0 : i32
      %dma_start3A_8 = arith.constant 0 : i32
      %dma_start3A_9 = tpu.memref_slice %arg4[%add3A, %dma_start3A, %dma_start3A_8] : memref<32x125x80xi32, #tpu.memory_space<hbm>> -> memref<1x125x80xi32, #tpu.memory_space<hbm>>
      %dma_start3A_10 = tpu.memref_squeeze %dma_start3A_9 : memref<1x125x80xi32, #tpu.memory_space<hbm>> -> memref<125x80xi32, #tpu.memory_space<hbm>>
      %dma_start3A_11 = arith.constant 0 : i32
      %dma_start3A_12 = arith.constant 0 : i32
      %dma_start3A_13 = tpu.memref_slice %arg4[%add3A, %dma_start3A_11, %dma_start3A_12] : memref<32x125x80xi32, #tpu.memory_space<hbm>> -> memref<1x125x80xi32, #tpu.memory_space<hbm>>
      %dma_start3A_14 = tpu.memref_squeeze %dma_start3A_13 : memref<1x125x80xi32, #tpu.memory_space<hbm>> -> memref<125x80xi32, #tpu.memory_space<hbm>>
      tpu.enqueue_dma source(%dma_start3A_14 : memref<125x80xi32, #tpu.memory_space<hbm>>) target(%arg7 : memref<125x80xi32, #tpu.memory_space<vmem>>) target_semaphore(%run_scoped3A : memref<!tpu.dma_semaphore, #tpu.memory_space<semaphore_mem>>)
      %dma_wait3A = arith.constant 0 : i32
      %dma_wait3A_15 = arith.constant 0 : i32
      %dma_wait3A_16 = tpu.memref_slice %arg4[%add3A, %dma_wait3A, %dma_wait3A_15] : memref<32x125x80xi32, #tpu.memory_space<hbm>> -> memref<1x125x80xi32, #tpu.memory_space<hbm>>
      %dma_wait3A_17 = tpu.memref_squeeze %dma_wait3A_16 : memref<1x125x80xi32, #tpu.memory_space<hbm>> -> memref<125x80xi32, #tpu.memory_space<hbm>>
      %dma_wait3A_18 = arith.constant 0 : i32
      %dma_wait3A_19 = arith.constant 0 : i32
      %dma_wait3A_20 = tpu.memref_slice %arg4[%add3A, %dma_wait3A_18, %dma_wait3A_19] : memref<32x125x80xi32, #tpu.memory_space<hbm>> -> memref<1x125x80xi32, #tpu.memory_space<hbm>>
      %dma_wait3A_21 = tpu.memref_squeeze %dma_wait3A_20 : memref<1x125x80xi32, #tpu.memory_space<hbm>> -> memref<125x80xi32, #tpu.memory_space<hbm>>
      tpu.wait_dma2 semaphore(%run_scoped3A : memref<!tpu.dma_semaphore, #tpu.memory_space<semaphore_mem>>) src(%dma_wait3A_21 : memref<125x80xi32, #tpu.memory_space<hbm>>) dst(%arg7 : memref<125x80xi32, #tpu.memory_space<vmem>>)
      tpu.yield
    }) : () -> ()
    %mul3A_1 = arith.constant 10000 : i32
    %mul3A_2 = arith.muli %add3A, %mul3A_1 : i32
    %multiple_of3A = tpu.assume_multiple %mul3A_2, 80 : i32
    %scan3A = arith.constant 0 : i32
    %scan3A_3 = arith.constant 0 : i32
    %scan3A_4 = arith.constant 125 : i32
    %scan3A_5 = arith.addi %scan3A_3, %scan3A_4 : i32
    %scan3A_6 = arith.constant 1 : i32
    scf.for %scan3A_8 = %scan3A_3 to %scan3A_5 step %scan3A_6  : i32 {
      %dma_start3A = arith.constant 0 : i32
      %dma_start3A_9 = tpu.memref_slice %arg6[%scan3A_8, %dma_start3A] : memref<125x80xi32, #tpu.memory_space<vmem>> -> memref<1x80xi32, #tpu.memory_space<vmem>>
      %dma_start3A_10 = tpu.memref_squeeze %dma_start3A_9 : memref<1x80xi32, #tpu.memory_space<vmem>> -> memref<80xi32, #tpu.memory_space<vmem>>
      %dma_start3A_11 = arith.constant 0 : i32
      %dma_start3A_12 = arith.constant 0 : i32
      %dma_start3A_13 = tpu.memref_slice %arg2[%dma_start3A_11, %dma_start3A_12] : memref<10000x128xf32, #tpu.memory_space<hbm>> -> memref<10000x128xf32, #tpu.memory_space<hbm>>
      tpu.enqueue_indirect_dma source(%dma_start3A_13 : memref<10000x128xf32, #tpu.memory_space<hbm>>) target(%arg8 : memref<80x128xf32, #tpu.memory_space<vmem>>) offsets(%dma_start3A_10 : memref<80xi32, #tpu.memory_space<vmem>>) semaphore(%arg10 : memref<!tpu.dma_semaphore, #tpu.memory_space<semaphore_mem>>)
      %dma_start3A_14 = arith.constant 0 : i32
      %dma_start3A_15 = tpu.memref_slice %arg7[%scan3A_8, %dma_start3A_14] : memref<125x80xi32, #tpu.memory_space<vmem>> -> memref<1x80xi32, #tpu.memory_space<vmem>>
      %dma_start3A_16 = tpu.memref_squeeze %dma_start3A_15 : memref<1x80xi32, #tpu.memory_space<vmem>> -> memref<80xi32, #tpu.memory_space<vmem>>
      %dma_start3A_17 = arith.constant 0 : i32
      %dma_start3A_18 = arith.constant 0 : i32
      %dma_start3A_19 = tpu.memref_slice %arg2[%dma_start3A_17, %dma_start3A_18] : memref<10000x128xf32, #tpu.memory_space<hbm>> -> memref<10000x128xf32, #tpu.memory_space<hbm>>
      tpu.enqueue_indirect_dma source(%dma_start3A_19 : memref<10000x128xf32, #tpu.memory_space<hbm>>) target(%arg9 : memref<80x128xf32, #tpu.memory_space<vmem>>) offsets(%dma_start3A_16 : memref<80xi32, #tpu.memory_space<vmem>>) semaphore(%arg11 : memref<!tpu.dma_semaphore, #tpu.memory_space<semaphore_mem>>)
      %dma_wait3A = arith.constant 0 : i32
      %dma_wait3A_20 = tpu.memref_slice %arg6[%scan3A_8, %dma_wait3A] : memref<125x80xi32, #tpu.memory_space<vmem>> -> memref<1x80xi32, #tpu.memory_space<vmem>>
      %dma_wait3A_21 = tpu.memref_squeeze %dma_wait3A_20 : memref<1x80xi32, #tpu.memory_space<vmem>> -> memref<80xi32, #tpu.memory_space<vmem>>
      %dma_wait3A_22 = arith.constant 0 : i32
      %dma_wait3A_23 = arith.constant 0 : i32
      %dma_wait3A_24 = tpu.memref_slice %arg2[%dma_wait3A_22, %dma_wait3A_23] : memref<10000x128xf32, #tpu.memory_space<hbm>> -> memref<10000x128xf32, #tpu.memory_space<hbm>>
      tpu.wait_indirect_dma semaphore(%arg10 : memref<!tpu.dma_semaphore, #tpu.memory_space<semaphore_mem>>) src(%dma_wait3A_24 : memref<10000x128xf32, #tpu.memory_space<hbm>>) dst(%arg8 : memref<80x128xf32, #tpu.memory_space<vmem>>)
      %dma_wait3A_25 = arith.constant 0 : i32
      %dma_wait3A_26 = tpu.memref_slice %arg7[%scan3A_8, %dma_wait3A_25] : memref<125x80xi32, #tpu.memory_space<vmem>> -> memref<1x80xi32, #tpu.memory_space<vmem>>
      %dma_wait3A_27 = tpu.memref_squeeze %dma_wait3A_26 : memref<1x80xi32, #tpu.memory_space<vmem>> -> memref<80xi32, #tpu.memory_space<vmem>>
      %dma_wait3A_28 = arith.constant 0 : i32
      %dma_wait3A_29 = arith.constant 0 : i32
      %dma_wait3A_30 = tpu.memref_slice %arg2[%dma_wait3A_28, %dma_wait3A_29] : memref<10000x128xf32, #tpu.memory_space<hbm>> -> memref<10000x128xf32, #tpu.memory_space<hbm>>
      tpu.wait_indirect_dma semaphore(%arg11 : memref<!tpu.dma_semaphore, #tpu.memory_space<semaphore_mem>>) src(%dma_wait3A_30 : memref<10000x128xf32, #tpu.memory_space<hbm>>) dst(%arg9 : memref<80x128xf32, #tpu.memory_space<vmem>>)
      %scan3A_31 = arith.constant 0 : i32
      %scan3A_32 = arith.constant 0 : i32
      %scan3A_33 = arith.constant 80 : i32
      %scan3A_34 = arith.addi %scan3A_32, %scan3A_33 : i32
      %scan3A_35 = arith.constant 1 : i32
      scf.for %scan3A_40 = %scan3A_32 to %scan3A_34 step %scan3A_35  : i32 {
        %get3A = arith.index_cast %scan3A_40 : i32 to index
        %get3A_41 = arith.constant 0 : index
        %get3A_42 = tpu.vector_load %arg8[%get3A, %get3A_41] {strides = array<i32>} : memref<80x128xf32, #tpu.memory_space<vmem>>, vector<1x16xf32>,
        %get3A_43 = vector.shape_cast %get3A_42 : vector<1x16xf32> to vector<16xf32>
        %get3A_44 = arith.index_cast %scan3A_40 : i32 to index
        %get3A_45 = arith.constant 0 : index
        %get3A_46 = tpu.vector_load %arg9[%get3A_44, %get3A_45] {strides = array<i32>} : memref<80x128xf32, #tpu.memory_space<vmem>>, vector<1x16xf32>,
        %get3A_47 = vector.shape_cast %get3A_46 : vector<1x16xf32> to vector<16xf32>
        %add3A_48 = arith.addf %get3A_43, %get3A_47 : vector<16xf32>
        %max3A = arith.constant 0.000000e+00 : f32
        %max3A_49 = vector.broadcast %max3A : f32 to vector<16xf32>
        %max3A_50 = arith.maximumf %add3A_48, %max3A_49 : vector<16xf32>
        %swap3A = arith.index_cast %scan3A_40 : i32 to index
        %swap3A_51 = arith.constant 0 : index
        %swap3A_52 = tpu.vector_load %arg8[%swap3A, %swap3A_51] {strides = array<i32>} : memref<80x128xf32, #tpu.memory_space<vmem>>, vector<1x16xf32>,
        %swap3A_53 = vector.shape_cast %swap3A_52 : vector<1x16xf32> to vector<16xf32>
        %swap3A_54 = vector.shape_cast %max3A_50 : vector<16xf32> to vector<1x16xf32>
        tpu.vector_store %arg8[%swap3A, %swap3A_51], %swap3A_54 {strides = array<i32>} : memref<80x128xf32, #tpu.memory_space<vmem>>, vector<1x16xf32>,
        %get3A_55 = arith.index_cast %scan3A_40 : i32 to index
        %get3A_56 = arith.constant 16 : index
        %get3A_57 = tpu.vector_load %arg8[%get3A_55, %get3A_56] {strides = array<i32>} : memref<80x128xf32, #tpu.memory_space<vmem>>, vector<1x16xf32>,
        %get3A_58 = vector.shape_cast %get3A_57 : vector<1x16xf32> to vector<16xf32>
        %get3A_59 = arith.index_cast %scan3A_40 : i32 to index
        %get3A_60 = arith.constant 16 : index
        %get3A_61 = tpu.vector_load %arg9[%get3A_59, %get3A_60] {strides = array<i32>} : memref<80x128xf32, #tpu.memory_space<vmem>>, vector<1x16xf32>,
        %get3A_62 = vector.shape_cast %get3A_61 : vector<1x16xf32> to vector<16xf32>
        %add3A_63 = arith.addf %get3A_58, %get3A_62 : vector<16xf32>
        %max3A_64 = arith.constant 0.000000e+00 : f32
        %max3A_65 = vector.broadcast %max3A_64 : f32 to vector<16xf32>
        %max3A_66 = arith.maximumf %add3A_63, %max3A_65 : vector<16xf32>
        %swap3A_67 = arith.index_cast %scan3A_40 : i32 to index
        %swap3A_68 = arith.constant 16 : index
        %swap3A_69 = tpu.vector_load %arg8[%swap3A_67, %swap3A_68] {strides = array<i32>} : memref<80x128xf32, #tpu.memory_space<vmem>>, vector<1x16xf32>,
        %swap3A_70 = vector.shape_cast %swap3A_69 : vector<1x16xf32> to vector<16xf32>
        %swap3A_71 = vector.shape_cast %max3A_66 : vector<16xf32> to vector<1x16xf32>
        tpu.vector_store %arg8[%swap3A_67, %swap3A_68], %swap3A_71 {strides = array<i32>} : memref<80x128xf32, #tpu.memory_space<vmem>>, vector<1x16xf32>,
        %get3A_72 = arith.index_cast %scan3A_40 : i32 to index
        %get3A_73 = arith.constant 32 : index
        %get3A_74 = tpu.vector_load %arg8[%get3A_72, %get3A_73] {strides = array<i32>} : memref<80x128xf32, #tpu.memory_space<vmem>>, vector<1x16xf32>,
        %get3A_75 = vector.shape_cast %get3A_74 : vector<1x16xf32> to vector<16xf32>
        %get3A_76 = arith.index_cast %scan3A_40 : i32 to index
        %get3A_77 = arith.constant 32 : index
        %get3A_78 = tpu.vector_load %arg9[%get3A_76, %get3A_77] {strides = array<i32>} : memref<80x128xf32, #tpu.memory_space<vmem>>, vector<1x16xf32>,
        %get3A_79 = vector.shape_cast %get3A_78 : vector<1x16xf32> to vector<16xf32>
        %add3A_80 = arith.addf %get3A_75, %get3A_79 : vector<16xf32>
        %max3A_81 = arith.constant 0.000000e+00 : f32
        %max3A_82 = vector.broadcast %max3A_81 : f32 to vector<16xf32>
        %max3A_83 = arith.maximumf %add3A_80, %max3A_82 : vector<16xf32>
        %swap3A_84 = arith.index_cast %scan3A_40 : i32 to index
        %swap3A_85 = arith.constant 32 : index
        %swap3A_86 = tpu.vector_load %arg8[%swap3A_84, %swap3A_85] {strides = array<i32>} : memref<80x128xf32, #tpu.memory_space<vmem>>, vector<1x16xf32>,
        %swap3A_87 = vector.shape_cast %swap3A_86 : vector<1x16xf32> to vector<16xf32>
        %swap3A_88 = vector.shape_cast %max3A_83 : vector<16xf32> to vector<1x16xf32>
        tpu.vector_store %arg8[%swap3A_84, %swap3A_85], %swap3A_88 {strides = array<i32>} : memref<80x128xf32, #tpu.memory_space<vmem>>, vector<1x16xf32>,
        %get3A_89 = arith.index_cast %scan3A_40 : i32 to index
        %get3A_90 = arith.constant 48 : index
        %get3A_91 = tpu.vector_load %arg8[%get3A_89, %get3A_90] {strides = array<i32>} : memref<80x128xf32, #tpu.memory_space<vmem>>, vector<1x16xf32>,
        %get3A_92 = vector.shape_cast %get3A_91 : vector<1x16xf32> to vector<16xf32>
        %get3A_93 = arith.index_cast %scan3A_40 : i32 to index
        %get3A_94 = arith.constant 48 : index
        %get3A_95 = tpu.vector_load %arg9[%get3A_93, %get3A_94] {strides = array<i32>} : memref<80x128xf32, #tpu.memory_space<vmem>>, vector<1x16xf32>,
        %get3A_96 = vector.shape_cast %get3A_95 : vector<1x16xf32> to vector<16xf32>
        %add3A_97 = arith.addf %get3A_92, %get3A_96 : vector<16xf32>
        %max3A_98 = arith.constant 0.000000e+00 : f32
        %max3A_99 = vector.broadcast %max3A_98 : f32 to vector<16xf32>
        %max3A_100 = arith.maximumf %add3A_97, %max3A_99 : vector<16xf32>
        %swap3A_101 = arith.index_cast %scan3A_40 : i32 to index
        %swap3A_102 = arith.constant 48 : index
        %swap3A_103 = tpu.vector_load %arg8[%swap3A_101, %swap3A_102] {strides = array<i32>} : memref<80x128xf32, #tpu.memory_space<vmem>>, vector<1x16xf32>,
        %swap3A_104 = vector.shape_cast %swap3A_103 : vector<1x16xf32> to vector<16xf32>
        %swap3A_105 = vector.shape_cast %max3A_100 : vector<16xf32> to vector<1x16xf32>
        tpu.vector_store %arg8[%swap3A_101, %swap3A_102], %swap3A_105 {strides = array<i32>} : memref<80x128xf32, #tpu.memory_space<vmem>>, vector<1x16xf32>,
        %get3A_106 = arith.index_cast %scan3A_40 : i32 to index
        %get3A_107 = arith.constant 64 : index
        %get3A_108 = tpu.vector_load %arg8[%get3A_106, %get3A_107] {strides = array<i32>} : memref<80x128xf32, #tpu.memory_space<vmem>>, vector<1x16xf32>,
        %get3A_109 = vector.shape_cast %get3A_108 : vector<1x16xf32> to vector<16xf32>
        %get3A_110 = arith.index_cast %scan3A_40 : i32 to index
        %get3A_111 = arith.constant 64 : index
        %get3A_112 = tpu.vector_load %arg9[%get3A_110, %get3A_111] {strides = array<i32>} : memref<80x128xf32, #tpu.memory_space<vmem>>, vector<1x16xf32>,
        %get3A_113 = vector.shape_cast %get3A_112 : vector<1x16xf32> to vector<16xf32>
        %add3A_114 = arith.addf %get3A_109, %get3A_113 : vector<16xf32>
        %max3A_115 = arith.constant 0.000000e+00 : f32
        %max3A_116 = vector.broadcast %max3A_115 : f32 to vector<16xf32>
        %max3A_117 = arith.maximumf %add3A_114, %max3A_116 : vector<16xf32>
        %swap3A_118 = arith.index_cast %scan3A_40 : i32 to index
        %swap3A_119 = arith.constant 64 : index
        %swap3A_120 = tpu.vector_load %arg8[%swap3A_118, %swap3A_119] {strides = array<i32>} : memref<80x128xf32, #tpu.memory_space<vmem>>, vector<1x16xf32>,
        %swap3A_121 = vector.shape_cast %swap3A_120 : vector<1x16xf32> to vector<16xf32>
        %swap3A_122 = vector.shape_cast %max3A_117 : vector<16xf32> to vector<1x16xf32>
        tpu.vector_store %arg8[%swap3A_118, %swap3A_119], %swap3A_122 {strides = array<i32>} : memref<80x128xf32, #tpu.memory_space<vmem>>, vector<1x16xf32>,
        %get3A_123 = arith.index_cast %scan3A_40 : i32 to index
        %get3A_124 = arith.constant 80 : index
        %get3A_125 = tpu.vector_load %arg8[%get3A_123, %get3A_124] {strides = array<i32>} : memref<80x128xf32, #tpu.memory_space<vmem>>, vector<1x16xf32>,
        %get3A_126 = vector.shape_cast %get3A_125 : vector<1x16xf32> to vector<16xf32>
        %get3A_127 = arith.index_cast %scan3A_40 : i32 to index
        %get3A_128 = arith.constant 80 : index
        %get3A_129 = tpu.vector_load %arg9[%get3A_127, %get3A_128] {strides = array<i32>} : memref<80x128xf32, #tpu.memory_space<vmem>>, vector<1x16xf32>,
        %get3A_130 = vector.shape_cast %get3A_129 : vector<1x16xf32> to vector<16xf32>
        %add3A_131 = arith.addf %get3A_126, %get3A_130 : vector<16xf32>
        %max3A_132 = arith.constant 0.000000e+00 : f32
        %max3A_133 = vector.broadcast %max3A_132 : f32 to vector<16xf32>
        %max3A_134 = arith.maximumf %add3A_131, %max3A_133 : vector<16xf32>
        %swap3A_135 = arith.index_cast %scan3A_40 : i32 to index
        %swap3A_136 = arith.constant 80 : index
        %swap3A_137 = tpu.vector_load %arg8[%swap3A_135, %swap3A_136] {strides = array<i32>} : memref<80x128xf32, #tpu.memory_space<vmem>>, vector<1x16xf32>,
        %swap3A_138 = vector.shape_cast %swap3A_137 : vector<1x16xf32> to vector<16xf32>
        %swap3A_139 = vector.shape_cast %max3A_134 : vector<16xf32> to vector<1x16xf32>
        tpu.vector_store %arg8[%swap3A_135, %swap3A_136], %swap3A_139 {strides = array<i32>} : memref<80x128xf32, #tpu.memory_space<vmem>>, vector<1x16xf32>,
        %get3A_140 = arith.index_cast %scan3A_40 : i32 to index
        %get3A_141 = arith.constant 96 : index
        %get3A_142 = tpu.vector_load %arg8[%get3A_140, %get3A_141] {strides = array<i32>} : memref<80x128xf32, #tpu.memory_space<vmem>>, vector<1x16xf32>,
        %get3A_143 = vector.shape_cast %get3A_142 : vector<1x16xf32> to vector<16xf32>
        %get3A_144 = arith.index_cast %scan3A_40 : i32 to index
        %get3A_145 = arith.constant 96 : index
        %get3A_146 = tpu.vector_load %arg9[%get3A_144, %get3A_145] {strides = array<i32>} : memref<80x128xf32, #tpu.memory_space<vmem>>, vector<1x16xf32>,
        %get3A_147 = vector.shape_cast %get3A_146 : vector<1x16xf32> to vector<16xf32>
        %add3A_148 = arith.addf %get3A_143, %get3A_147 : vector<16xf32>
        %max3A_149 = arith.constant 0.000000e+00 : f32
        %max3A_150 = vector.broadcast %max3A_149 : f32 to vector<16xf32>
        %max3A_151 = arith.maximumf %add3A_148, %max3A_150 : vector<16xf32>
        %swap3A_152 = arith.index_cast %scan3A_40 : i32 to index
        %swap3A_153 = arith.constant 96 : index
        %swap3A_154 = tpu.vector_load %arg8[%swap3A_152, %swap3A_153] {strides = array<i32>} : memref<80x128xf32, #tpu.memory_space<vmem>>, vector<1x16xf32>,
        %swap3A_155 = vector.shape_cast %swap3A_154 : vector<1x16xf32> to vector<16xf32>
        %swap3A_156 = vector.shape_cast %max3A_151 : vector<16xf32> to vector<1x16xf32>
        tpu.vector_store %arg8[%swap3A_152, %swap3A_153], %swap3A_156 {strides = array<i32>} : memref<80x128xf32, #tpu.memory_space<vmem>>, vector<1x16xf32>,
        %get3A_157 = arith.index_cast %scan3A_40 : i32 to index
        %get3A_158 = arith.constant 112 : index
        %get3A_159 = tpu.vector_load %arg8[%get3A_157, %get3A_158] {strides = array<i32>} : memref<80x128xf32, #tpu.memory_space<vmem>>, vector<1x16xf32>,
        %get3A_160 = vector.shape_cast %get3A_159 : vector<1x16xf32> to vector<16xf32>
        %get3A_161 = arith.index_cast %scan3A_40 : i32 to index
        %get3A_162 = arith.constant 112 : index
        %get3A_163 = tpu.vector_load %arg9[%get3A_161, %get3A_162] {strides = array<i32>} : memref<80x128xf32, #tpu.memory_space<vmem>>, vector<1x16xf32>,
        %get3A_164 = vector.shape_cast %get3A_163 : vector<1x16xf32> to vector<16xf32>
        %add3A_165 = arith.addf %get3A_160, %get3A_164 : vector<16xf32>
        %max3A_166 = arith.constant 0.000000e+00 : f32
        %max3A_167 = vector.broadcast %max3A_166 : f32 to vector<16xf32>
        %max3A_168 = arith.maximumf %add3A_165, %max3A_167 : vector<16xf32>
        %swap3A_169 = arith.index_cast %scan3A_40 : i32 to index
        %swap3A_170 = arith.constant 112 : index
        %swap3A_171 = tpu.vector_load %arg8[%swap3A_169, %swap3A_170] {strides = array<i32>} : memref<80x128xf32, #tpu.memory_space<vmem>>, vector<1x16xf32>,
        %swap3A_172 = vector.shape_cast %swap3A_171 : vector<1x16xf32> to vector<16xf32>
        %swap3A_173 = vector.shape_cast %max3A_168 : vector<16xf32> to vector<1x16xf32>
        tpu.vector_store %arg8[%swap3A_169, %swap3A_170], %swap3A_173 {strides = array<i32>} : memref<80x128xf32, #tpu.memory_space<vmem>>, vector<1x16xf32>,
      }
      %scan3A_36 = arith.constant 80 : i32
      %mul3A_37 = arith.constant 80 : i32
      %mul3A_38 = arith.muli %scan3A_8, %mul3A_37 : i32
      %add3A_39 = arith.addi %multiple_of3A, %mul3A_38 : i32
      "tpu.region"() ({
        %run_scoped3A = tpu.sem_alloc : memref<!tpu.dma_semaphore, #tpu.memory_space<semaphore_mem>>
        %dma_start3A_40 = arith.constant 0 : i32
        %dma_start3A_41 = tpu.memref_slice %arg5[%add3A_39, %dma_start3A_40] : memref<320000x128xf32, #tpu.memory_space<hbm>> -> memref<80x128xf32, #tpu.memory_space<hbm>>
        %dma_start3A_42 = arith.constant 0 : i32
        %dma_start3A_43 = tpu.memref_slice %arg5[%add3A_39, %dma_start3A_42] : memref<320000x128xf32, #tpu.memory_space<hbm>> -> memref<80x128xf32, #tpu.memory_space<hbm>>
        tpu.enqueue_dma source(%arg8 : memref<80x128xf32, #tpu.memory_space<vmem>>) target(%dma_start3A_43 : memref<80x128xf32, #tpu.memory_space<hbm>>) target_semaphore(%run_scoped3A : memref<!tpu.dma_semaphore, #tpu.memory_space<semaphore_mem>>)
        %dma_wait3A_44 = arith.constant 0 : i32
        %dma_wait3A_45 = tpu.memref_slice %arg5[%add3A_39, %dma_wait3A_44] : memref<320000x128xf32, #tpu.memory_space<hbm>> -> memref<80x128xf32, #tpu.memory_space<hbm>>
        %dma_wait3A_46 = arith.constant 0 : i32
        %dma_wait3A_47 = tpu.memref_slice %arg5[%add3A_39, %dma_wait3A_46] : memref<320000x128xf32, #tpu.memory_space<hbm>> -> memref<80x128xf32, #tpu.memory_space<hbm>>
        tpu.wait_dma2 semaphore(%run_scoped3A : memref<!tpu.dma_semaphore, #tpu.memory_space<semaphore_mem>>) src(%arg8 : memref<80x128xf32, #tpu.memory_space<vmem>>) dst(%dma_wait3A_47 : memref<80x128xf32, #tpu.memory_space<hbm>>)
        tpu.yield
      }) : () -> ()
    }
    %scan3A_7 = arith.constant 125 : i32
    return
  }
}

#map = affine_map<(d0, d1) -> (0, 0, 0)>
#map1 = affine_map<(d0, d1) -> (0, 0)>
module attributes {stable_mosaic.version = 14 : i64} {
  func.func @k(%arg0: i32, %arg1: i32, %arg2: memref<32x125x80xi32, #tpu.memory_space<hbm>>, %arg3: memref<32x125x80xf32, #tpu.memory_space<hbm>>, %arg4: memref<2x10240xf32, #tpu.memory_space<hbm>>, %arg5: memref<125x80xi32, #tpu.memory_space<vmem>>, %arg6: memref<125x80xf32, #tpu.memory_space<vmem>>, %arg7: memref<640xf32, #tpu.memory_space<vmem>>, %arg8: memref<10240xf32, #tpu.memory_space<vmem_shared>>) attributes {dimension_semantics = [#tpu.dimension_semantics<core_parallel>, #tpu.dimension_semantics<subcore_parallel>], iteration_bounds = array<i64: 2, 16>, scalar_prefetch = 0 : i64, scratch_operands = 4 : i64, tpu.core_type = #tpu.core_type<sc_vector_subcore>, window_params = [{transform_indices = #map}, {transform_indices = #map}, {transform_indices = #map1}]} {
    %mul3A = arith.constant 16 : i32
    %mul3A_0 = arith.muli %arg0, %mul3A : i32
    %add3A = arith.addi %mul3A_0, %arg1 : i32
    "tpu.region"() ({
      %run_scoped3A = tpu.sem_alloc : memref<!tpu.dma_semaphore, #tpu.memory_space<semaphore_mem>>
      %dma_start3A = arith.constant 0 : i32
      %dma_start3A_247 = arith.constant 0 : i32
      %dma_start3A_248 = tpu.memref_slice %arg2[%add3A, %dma_start3A, %dma_start3A_247] : memref<32x125x80xi32, #tpu.memory_space<hbm>> -> memref<1x125x80xi32, #tpu.memory_space<hbm>>
      %dma_start3A_249 = tpu.memref_squeeze %dma_start3A_248 : memref<1x125x80xi32, #tpu.memory_space<hbm>> -> memref<125x80xi32, #tpu.memory_space<hbm>>
      %dma_start3A_250 = arith.constant 0 : i32
      %dma_start3A_251 = arith.constant 0 : i32
      %dma_start3A_252 = tpu.memref_slice %arg2[%add3A, %dma_start3A_250, %dma_start3A_251] : memref<32x125x80xi32, #tpu.memory_space<hbm>> -> memref<1x125x80xi32, #tpu.memory_space<hbm>>
      %dma_start3A_253 = tpu.memref_squeeze %dma_start3A_252 : memref<1x125x80xi32, #tpu.memory_space<hbm>> -> memref<125x80xi32, #tpu.memory_space<hbm>>
      tpu.enqueue_dma source(%dma_start3A_253 : memref<125x80xi32, #tpu.memory_space<hbm>>) target(%arg5 : memref<125x80xi32, #tpu.memory_space<vmem>>) target_semaphore(%run_scoped3A : memref<!tpu.dma_semaphore, #tpu.memory_space<semaphore_mem>>)
      %dma_wait3A = arith.constant 0 : i32
      %dma_wait3A_254 = arith.constant 0 : i32
      %dma_wait3A_255 = tpu.memref_slice %arg2[%add3A, %dma_wait3A, %dma_wait3A_254] : memref<32x125x80xi32, #tpu.memory_space<hbm>> -> memref<1x125x80xi32, #tpu.memory_space<hbm>>
      %dma_wait3A_256 = tpu.memref_squeeze %dma_wait3A_255 : memref<1x125x80xi32, #tpu.memory_space<hbm>> -> memref<125x80xi32, #tpu.memory_space<hbm>>
      %dma_wait3A_257 = arith.constant 0 : i32
      %dma_wait3A_258 = arith.constant 0 : i32
      %dma_wait3A_259 = tpu.memref_slice %arg2[%add3A, %dma_wait3A_257, %dma_wait3A_258] : memref<32x125x80xi32, #tpu.memory_space<hbm>> -> memref<1x125x80xi32, #tpu.memory_space<hbm>>
      %dma_wait3A_260 = tpu.memref_squeeze %dma_wait3A_259 : memref<1x125x80xi32, #tpu.memory_space<hbm>> -> memref<125x80xi32, #tpu.memory_space<hbm>>
      tpu.wait_dma2 semaphore(%run_scoped3A : memref<!tpu.dma_semaphore, #tpu.memory_space<semaphore_mem>>) src(%dma_wait3A_260 : memref<125x80xi32, #tpu.memory_space<hbm>>) dst(%arg5 : memref<125x80xi32, #tpu.memory_space<vmem>>)
      tpu.yield
    }) : () -> ()
    "tpu.region"() ({
      %run_scoped3A = tpu.sem_alloc : memref<!tpu.dma_semaphore, #tpu.memory_space<semaphore_mem>>
      %dma_start3A = arith.constant 0 : i32
      %dma_start3A_247 = arith.constant 0 : i32
      %dma_start3A_248 = tpu.memref_slice %arg3[%add3A, %dma_start3A, %dma_start3A_247] : memref<32x125x80xf32, #tpu.memory_space<hbm>> -> memref<1x125x80xf32, #tpu.memory_space<hbm>>
      %dma_start3A_249 = tpu.memref_squeeze %dma_start3A_248 : memref<1x125x80xf32, #tpu.memory_space<hbm>> -> memref<125x80xf32, #tpu.memory_space<hbm>>
      %dma_start3A_250 = arith.constant 0 : i32
      %dma_start3A_251 = arith.constant 0 : i32
      %dma_start3A_252 = tpu.memref_slice %arg3[%add3A, %dma_start3A_250, %dma_start3A_251] : memref<32x125x80xf32, #tpu.memory_space<hbm>> -> memref<1x125x80xf32, #tpu.memory_space<hbm>>
      %dma_start3A_253 = tpu.memref_squeeze %dma_start3A_252 : memref<1x125x80xf32, #tpu.memory_space<hbm>> -> memref<125x80xf32, #tpu.memory_space<hbm>>
      tpu.enqueue_dma source(%dma_start3A_253 : memref<125x80xf32, #tpu.memory_space<hbm>>) target(%arg6 : memref<125x80xf32, #tpu.memory_space<vmem>>) target_semaphore(%run_scoped3A : memref<!tpu.dma_semaphore, #tpu.memory_space<semaphore_mem>>)
      %dma_wait3A = arith.constant 0 : i32
      %dma_wait3A_254 = arith.constant 0 : i32
      %dma_wait3A_255 = tpu.memref_slice %arg3[%add3A, %dma_wait3A, %dma_wait3A_254] : memref<32x125x80xf32, #tpu.memory_space<hbm>> -> memref<1x125x80xf32, #tpu.memory_space<hbm>>
      %dma_wait3A_256 = tpu.memref_squeeze %dma_wait3A_255 : memref<1x125x80xf32, #tpu.memory_space<hbm>> -> memref<125x80xf32, #tpu.memory_space<hbm>>
      %dma_wait3A_257 = arith.constant 0 : i32
      %dma_wait3A_258 = arith.constant 0 : i32
      %dma_wait3A_259 = tpu.memref_slice %arg3[%add3A, %dma_wait3A_257, %dma_wait3A_258] : memref<32x125x80xf32, #tpu.memory_space<hbm>> -> memref<1x125x80xf32, #tpu.memory_space<hbm>>
      %dma_wait3A_260 = tpu.memref_squeeze %dma_wait3A_259 : memref<1x125x80xf32, #tpu.memory_space<hbm>> -> memref<125x80xf32, #tpu.memory_space<hbm>>
      tpu.wait_dma2 semaphore(%run_scoped3A : memref<!tpu.dma_semaphore, #tpu.memory_space<semaphore_mem>>) src(%dma_wait3A_260 : memref<125x80xf32, #tpu.memory_space<hbm>>) dst(%arg6 : memref<125x80xf32, #tpu.memory_space<vmem>>)
      tpu.yield
    }) : () -> ()
    %broadcast_in_dim3A = arith.constant 0.000000e+00 : f32
    %broadcast_in_dim3A_1 = vector.broadcast %broadcast_in_dim3A : f32 to vector<16xf32>
    %swap3A = arith.constant 0 : index
    %swap3A_2 = tpu.vector_load %arg7[%swap3A] {strides = array<i32>} : memref<640xf32, #tpu.memory_space<vmem>>, vector<16xf32>,
    %swap3A_3 = vector.shape_cast %swap3A_2 : vector<16xf32> to vector<16xf32>
    %swap3A_4 = vector.shape_cast %broadcast_in_dim3A_1 : vector<16xf32> to vector<16xf32>
    tpu.vector_store %arg7[%swap3A], %swap3A_4 {strides = array<i32>} : memref<640xf32, #tpu.memory_space<vmem>>, vector<16xf32>,
    %broadcast_in_dim3A_5 = arith.constant 0.000000e+00 : f32
    %broadcast_in_dim3A_6 = vector.broadcast %broadcast_in_dim3A_5 : f32 to vector<16xf32>
    %swap3A_7 = arith.constant 16 : index
    %swap3A_8 = tpu.vector_load %arg7[%swap3A_7] {strides = array<i32>} : memref<640xf32, #tpu.memory_space<vmem>>, vector<16xf32>,
    %swap3A_9 = vector.shape_cast %swap3A_8 : vector<16xf32> to vector<16xf32>
    %swap3A_10 = vector.shape_cast %broadcast_in_dim3A_6 : vector<16xf32> to vector<16xf32>
    tpu.vector_store %arg7[%swap3A_7], %swap3A_10 {strides = array<i32>} : memref<640xf32, #tpu.memory_space<vmem>>, vector<16xf32>,
    %broadcast_in_dim3A_11 = arith.constant 0.000000e+00 : f32
    %broadcast_in_dim3A_12 = vector.broadcast %broadcast_in_dim3A_11 : f32 to vector<16xf32>
    %swap3A_13 = arith.constant 32 : index
    %swap3A_14 = tpu.vector_load %arg7[%swap3A_13] {strides = array<i32>} : memref<640xf32, #tpu.memory_space<vmem>>, vector<16xf32>,
    %swap3A_15 = vector.shape_cast %swap3A_14 : vector<16xf32> to vector<16xf32>
    %swap3A_16 = vector.shape_cast %broadcast_in_dim3A_12 : vector<16xf32> to vector<16xf32>
    tpu.vector_store %arg7[%swap3A_13], %swap3A_16 {strides = array<i32>} : memref<640xf32, #tpu.memory_space<vmem>>, vector<16xf32>,
    %broadcast_in_dim3A_17 = arith.constant 0.000000e+00 : f32
    %broadcast_in_dim3A_18 = vector.broadcast %broadcast_in_dim3A_17 : f32 to vector<16xf32>
    %swap3A_19 = arith.constant 48 : index
    %swap3A_20 = tpu.vector_load %arg7[%swap3A_19] {strides = array<i32>} : memref<640xf32, #tpu.memory_space<vmem>>, vector<16xf32>,
    %swap3A_21 = vector.shape_cast %swap3A_20 : vector<16xf32> to vector<16xf32>
    %swap3A_22 = vector.shape_cast %broadcast_in_dim3A_18 : vector<16xf32> to vector<16xf32>
    tpu.vector_store %arg7[%swap3A_19], %swap3A_22 {strides = array<i32>} : memref<640xf32, #tpu.memory_space<vmem>>, vector<16xf32>,
    %broadcast_in_dim3A_23 = arith.constant 0.000000e+00 : f32
    %broadcast_in_dim3A_24 = vector.broadcast %broadcast_in_dim3A_23 : f32 to vector<16xf32>
    %swap3A_25 = arith.constant 64 : index
    %swap3A_26 = tpu.vector_load %arg7[%swap3A_25] {strides = array<i32>} : memref<640xf32, #tpu.memory_space<vmem>>, vector<16xf32>,
    %swap3A_27 = vector.shape_cast %swap3A_26 : vector<16xf32> to vector<16xf32>
    %swap3A_28 = vector.shape_cast %broadcast_in_dim3A_24 : vector<16xf32> to vector<16xf32>
    tpu.vector_store %arg7[%swap3A_25], %swap3A_28 {strides = array<i32>} : memref<640xf32, #tpu.memory_space<vmem>>, vector<16xf32>,
    %broadcast_in_dim3A_29 = arith.constant 0.000000e+00 : f32
    %broadcast_in_dim3A_30 = vector.broadcast %broadcast_in_dim3A_29 : f32 to vector<16xf32>
    %swap3A_31 = arith.constant 80 : index
    %swap3A_32 = tpu.vector_load %arg7[%swap3A_31] {strides = array<i32>} : memref<640xf32, #tpu.memory_space<vmem>>, vector<16xf32>,
    %swap3A_33 = vector.shape_cast %swap3A_32 : vector<16xf32> to vector<16xf32>
    %swap3A_34 = vector.shape_cast %broadcast_in_dim3A_30 : vector<16xf32> to vector<16xf32>
    tpu.vector_store %arg7[%swap3A_31], %swap3A_34 {strides = array<i32>} : memref<640xf32, #tpu.memory_space<vmem>>, vector<16xf32>,
    %broadcast_in_dim3A_35 = arith.constant 0.000000e+00 : f32
    %broadcast_in_dim3A_36 = vector.broadcast %broadcast_in_dim3A_35 : f32 to vector<16xf32>
    %swap3A_37 = arith.constant 96 : index
    %swap3A_38 = tpu.vector_load %arg7[%swap3A_37] {strides = array<i32>} : memref<640xf32, #tpu.memory_space<vmem>>, vector<16xf32>,
    %swap3A_39 = vector.shape_cast %swap3A_38 : vector<16xf32> to vector<16xf32>
    %swap3A_40 = vector.shape_cast %broadcast_in_dim3A_36 : vector<16xf32> to vector<16xf32>
    tpu.vector_store %arg7[%swap3A_37], %swap3A_40 {strides = array<i32>} : memref<640xf32, #tpu.memory_space<vmem>>, vector<16xf32>,
    %broadcast_in_dim3A_41 = arith.constant 0.000000e+00 : f32
    %broadcast_in_dim3A_42 = vector.broadcast %broadcast_in_dim3A_41 : f32 to vector<16xf32>
    %swap3A_43 = arith.constant 112 : index
    %swap3A_44 = tpu.vector_load %arg7[%swap3A_43] {strides = array<i32>} : memref<640xf32, #tpu.memory_space<vmem>>, vector<16xf32>,
    %swap3A_45 = vector.shape_cast %swap3A_44 : vector<16xf32> to vector<16xf32>
    %swap3A_46 = vector.shape_cast %broadcast_in_dim3A_42 : vector<16xf32> to vector<16xf32>
    tpu.vector_store %arg7[%swap3A_43], %swap3A_46 {strides = array<i32>} : memref<640xf32, #tpu.memory_space<vmem>>, vector<16xf32>,
    %broadcast_in_dim3A_47 = arith.constant 0.000000e+00 : f32
    %broadcast_in_dim3A_48 = vector.broadcast %broadcast_in_dim3A_47 : f32 to vector<16xf32>
    %swap3A_49 = arith.constant 128 : index
    %swap3A_50 = tpu.vector_load %arg7[%swap3A_49] {strides = array<i32>} : memref<640xf32, #tpu.memory_space<vmem>>, vector<16xf32>,
    %swap3A_51 = vector.shape_cast %swap3A_50 : vector<16xf32> to vector<16xf32>
    %swap3A_52 = vector.shape_cast %broadcast_in_dim3A_48 : vector<16xf32> to vector<16xf32>
    tpu.vector_store %arg7[%swap3A_49], %swap3A_52 {strides = array<i32>} : memref<640xf32, #tpu.memory_space<vmem>>, vector<16xf32>,
    %broadcast_in_dim3A_53 = arith.constant 0.000000e+00 : f32
    %broadcast_in_dim3A_54 = vector.broadcast %broadcast_in_dim3A_53 : f32 to vector<16xf32>
    %swap3A_55 = arith.constant 144 : index
    %swap3A_56 = tpu.vector_load %arg7[%swap3A_55] {strides = array<i32>} : memref<640xf32, #tpu.memory_space<vmem>>, vector<16xf32>,
    %swap3A_57 = vector.shape_cast %swap3A_56 : vector<16xf32> to vector<16xf32>
    %swap3A_58 = vector.shape_cast %broadcast_in_dim3A_54 : vector<16xf32> to vector<16xf32>
    tpu.vector_store %arg7[%swap3A_55], %swap3A_58 {strides = array<i32>} : memref<640xf32, #tpu.memory_space<vmem>>, vector<16xf32>,
    %broadcast_in_dim3A_59 = arith.constant 0.000000e+00 : f32
    %broadcast_in_dim3A_60 = vector.broadcast %broadcast_in_dim3A_59 : f32 to vector<16xf32>
    %swap3A_61 = arith.constant 160 : index
    %swap3A_62 = tpu.vector_load %arg7[%swap3A_61] {strides = array<i32>} : memref<640xf32, #tpu.memory_space<vmem>>, vector<16xf32>,
    %swap3A_63 = vector.shape_cast %swap3A_62 : vector<16xf32> to vector<16xf32>
    %swap3A_64 = vector.shape_cast %broadcast_in_dim3A_60 : vector<16xf32> to vector<16xf32>
    tpu.vector_store %arg7[%swap3A_61], %swap3A_64 {strides = array<i32>} : memref<640xf32, #tpu.memory_space<vmem>>, vector<16xf32>,
    %broadcast_in_dim3A_65 = arith.constant 0.000000e+00 : f32
    %broadcast_in_dim3A_66 = vector.broadcast %broadcast_in_dim3A_65 : f32 to vector<16xf32>
    %swap3A_67 = arith.constant 176 : index
    %swap3A_68 = tpu.vector_load %arg7[%swap3A_67] {strides = array<i32>} : memref<640xf32, #tpu.memory_space<vmem>>, vector<16xf32>,
    %swap3A_69 = vector.shape_cast %swap3A_68 : vector<16xf32> to vector<16xf32>
    %swap3A_70 = vector.shape_cast %broadcast_in_dim3A_66 : vector<16xf32> to vector<16xf32>
    tpu.vector_store %arg7[%swap3A_67], %swap3A_70 {strides = array<i32>} : memref<640xf32, #tpu.memory_space<vmem>>, vector<16xf32>,
    %broadcast_in_dim3A_71 = arith.constant 0.000000e+00 : f32
    %broadcast_in_dim3A_72 = vector.broadcast %broadcast_in_dim3A_71 : f32 to vector<16xf32>
    %swap3A_73 = arith.constant 192 : index
    %swap3A_74 = tpu.vector_load %arg7[%swap3A_73] {strides = array<i32>} : memref<640xf32, #tpu.memory_space<vmem>>, vector<16xf32>,
    %swap3A_75 = vector.shape_cast %swap3A_74 : vector<16xf32> to vector<16xf32>
    %swap3A_76 = vector.shape_cast %broadcast_in_dim3A_72 : vector<16xf32> to vector<16xf32>
    tpu.vector_store %arg7[%swap3A_73], %swap3A_76 {strides = array<i32>} : memref<640xf32, #tpu.memory_space<vmem>>, vector<16xf32>,
    %broadcast_in_dim3A_77 = arith.constant 0.000000e+00 : f32
    %broadcast_in_dim3A_78 = vector.broadcast %broadcast_in_dim3A_77 : f32 to vector<16xf32>
    %swap3A_79 = arith.constant 208 : index
    %swap3A_80 = tpu.vector_load %arg7[%swap3A_79] {strides = array<i32>} : memref<640xf32, #tpu.memory_space<vmem>>, vector<16xf32>,
    %swap3A_81 = vector.shape_cast %swap3A_80 : vector<16xf32> to vector<16xf32>
    %swap3A_82 = vector.shape_cast %broadcast_in_dim3A_78 : vector<16xf32> to vector<16xf32>
    tpu.vector_store %arg7[%swap3A_79], %swap3A_82 {strides = array<i32>} : memref<640xf32, #tpu.memory_space<vmem>>, vector<16xf32>,
    %broadcast_in_dim3A_83 = arith.constant 0.000000e+00 : f32
    %broadcast_in_dim3A_84 = vector.broadcast %broadcast_in_dim3A_83 : f32 to vector<16xf32>
    %swap3A_85 = arith.constant 224 : index
    %swap3A_86 = tpu.vector_load %arg7[%swap3A_85] {strides = array<i32>} : memref<640xf32, #tpu.memory_space<vmem>>, vector<16xf32>,
    %swap3A_87 = vector.shape_cast %swap3A_86 : vector<16xf32> to vector<16xf32>
    %swap3A_88 = vector.shape_cast %broadcast_in_dim3A_84 : vector<16xf32> to vector<16xf32>
    tpu.vector_store %arg7[%swap3A_85], %swap3A_88 {strides = array<i32>} : memref<640xf32, #tpu.memory_space<vmem>>, vector<16xf32>,
    %broadcast_in_dim3A_89 = arith.constant 0.000000e+00 : f32
    %broadcast_in_dim3A_90 = vector.broadcast %broadcast_in_dim3A_89 : f32 to vector<16xf32>
    %swap3A_91 = arith.constant 240 : index
    %swap3A_92 = tpu.vector_load %arg7[%swap3A_91] {strides = array<i32>} : memref<640xf32, #tpu.memory_space<vmem>>, vector<16xf32>,
    %swap3A_93 = vector.shape_cast %swap3A_92 : vector<16xf32> to vector<16xf32>
    %swap3A_94 = vector.shape_cast %broadcast_in_dim3A_90 : vector<16xf32> to vector<16xf32>
    tpu.vector_store %arg7[%swap3A_91], %swap3A_94 {strides = array<i32>} : memref<640xf32, #tpu.memory_space<vmem>>, vector<16xf32>,
    %broadcast_in_dim3A_95 = arith.constant 0.000000e+00 : f32
    %broadcast_in_dim3A_96 = vector.broadcast %broadcast_in_dim3A_95 : f32 to vector<16xf32>
    %swap3A_97 = arith.constant 256 : index
    %swap3A_98 = tpu.vector_load %arg7[%swap3A_97] {strides = array<i32>} : memref<640xf32, #tpu.memory_space<vmem>>, vector<16xf32>,
    %swap3A_99 = vector.shape_cast %swap3A_98 : vector<16xf32> to vector<16xf32>
    %swap3A_100 = vector.shape_cast %broadcast_in_dim3A_96 : vector<16xf32> to vector<16xf32>
    tpu.vector_store %arg7[%swap3A_97], %swap3A_100 {strides = array<i32>} : memref<640xf32, #tpu.memory_space<vmem>>, vector<16xf32>,
    %broadcast_in_dim3A_101 = arith.constant 0.000000e+00 : f32
    %broadcast_in_dim3A_102 = vector.broadcast %broadcast_in_dim3A_101 : f32 to vector<16xf32>
    %swap3A_103 = arith.constant 272 : index
    %swap3A_104 = tpu.vector_load %arg7[%swap3A_103] {strides = array<i32>} : memref<640xf32, #tpu.memory_space<vmem>>, vector<16xf32>,
    %swap3A_105 = vector.shape_cast %swap3A_104 : vector<16xf32> to vector<16xf32>
    %swap3A_106 = vector.shape_cast %broadcast_in_dim3A_102 : vector<16xf32> to vector<16xf32>
    tpu.vector_store %arg7[%swap3A_103], %swap3A_106 {strides = array<i32>} : memref<640xf32, #tpu.memory_space<vmem>>, vector<16xf32>,
    %broadcast_in_dim3A_107 = arith.constant 0.000000e+00 : f32
    %broadcast_in_dim3A_108 = vector.broadcast %broadcast_in_dim3A_107 : f32 to vector<16xf32>
    %swap3A_109 = arith.constant 288 : index
    %swap3A_110 = tpu.vector_load %arg7[%swap3A_109] {strides = array<i32>} : memref<640xf32, #tpu.memory_space<vmem>>, vector<16xf32>,
    %swap3A_111 = vector.shape_cast %swap3A_110 : vector<16xf32> to vector<16xf32>
    %swap3A_112 = vector.shape_cast %broadcast_in_dim3A_108 : vector<16xf32> to vector<16xf32>
    tpu.vector_store %arg7[%swap3A_109], %swap3A_112 {strides = array<i32>} : memref<640xf32, #tpu.memory_space<vmem>>, vector<16xf32>,
    %broadcast_in_dim3A_113 = arith.constant 0.000000e+00 : f32
    %broadcast_in_dim3A_114 = vector.broadcast %broadcast_in_dim3A_113 : f32 to vector<16xf32>
    %swap3A_115 = arith.constant 304 : index
    %swap3A_116 = tpu.vector_load %arg7[%swap3A_115] {strides = array<i32>} : memref<640xf32, #tpu.memory_space<vmem>>, vector<16xf32>,
    %swap3A_117 = vector.shape_cast %swap3A_116 : vector<16xf32> to vector<16xf32>
    %swap3A_118 = vector.shape_cast %broadcast_in_dim3A_114 : vector<16xf32> to vector<16xf32>
    tpu.vector_store %arg7[%swap3A_115], %swap3A_118 {strides = array<i32>} : memref<640xf32, #tpu.memory_space<vmem>>, vector<16xf32>,
    %broadcast_in_dim3A_119 = arith.constant 0.000000e+00 : f32
    %broadcast_in_dim3A_120 = vector.broadcast %broadcast_in_dim3A_119 : f32 to vector<16xf32>
    %swap3A_121 = arith.constant 320 : index
    %swap3A_122 = tpu.vector_load %arg7[%swap3A_121] {strides = array<i32>} : memref<640xf32, #tpu.memory_space<vmem>>, vector<16xf32>,
    %swap3A_123 = vector.shape_cast %swap3A_122 : vector<16xf32> to vector<16xf32>
    %swap3A_124 = vector.shape_cast %broadcast_in_dim3A_120 : vector<16xf32> to vector<16xf32>
    tpu.vector_store %arg7[%swap3A_121], %swap3A_124 {strides = array<i32>} : memref<640xf32, #tpu.memory_space<vmem>>, vector<16xf32>,
    %broadcast_in_dim3A_125 = arith.constant 0.000000e+00 : f32
    %broadcast_in_dim3A_126 = vector.broadcast %broadcast_in_dim3A_125 : f32 to vector<16xf32>
    %swap3A_127 = arith.constant 336 : index
    %swap3A_128 = tpu.vector_load %arg7[%swap3A_127] {strides = array<i32>} : memref<640xf32, #tpu.memory_space<vmem>>, vector<16xf32>,
    %swap3A_129 = vector.shape_cast %swap3A_128 : vector<16xf32> to vector<16xf32>
    %swap3A_130 = vector.shape_cast %broadcast_in_dim3A_126 : vector<16xf32> to vector<16xf32>
    tpu.vector_store %arg7[%swap3A_127], %swap3A_130 {strides = array<i32>} : memref<640xf32, #tpu.memory_space<vmem>>, vector<16xf32>,
    %broadcast_in_dim3A_131 = arith.constant 0.000000e+00 : f32
    %broadcast_in_dim3A_132 = vector.broadcast %broadcast_in_dim3A_131 : f32 to vector<16xf32>
    %swap3A_133 = arith.constant 352 : index
    %swap3A_134 = tpu.vector_load %arg7[%swap3A_133] {strides = array<i32>} : memref<640xf32, #tpu.memory_space<vmem>>, vector<16xf32>,
    %swap3A_135 = vector.shape_cast %swap3A_134 : vector<16xf32> to vector<16xf32>
    %swap3A_136 = vector.shape_cast %broadcast_in_dim3A_132 : vector<16xf32> to vector<16xf32>
    tpu.vector_store %arg7[%swap3A_133], %swap3A_136 {strides = array<i32>} : memref<640xf32, #tpu.memory_space<vmem>>, vector<16xf32>,
    %broadcast_in_dim3A_137 = arith.constant 0.000000e+00 : f32
    %broadcast_in_dim3A_138 = vector.broadcast %broadcast_in_dim3A_137 : f32 to vector<16xf32>
    %swap3A_139 = arith.constant 368 : index
    %swap3A_140 = tpu.vector_load %arg7[%swap3A_139] {strides = array<i32>} : memref<640xf32, #tpu.memory_space<vmem>>, vector<16xf32>,
    %swap3A_141 = vector.shape_cast %swap3A_140 : vector<16xf32> to vector<16xf32>
    %swap3A_142 = vector.shape_cast %broadcast_in_dim3A_138 : vector<16xf32> to vector<16xf32>
    tpu.vector_store %arg7[%swap3A_139], %swap3A_142 {strides = array<i32>} : memref<640xf32, #tpu.memory_space<vmem>>, vector<16xf32>,
    %broadcast_in_dim3A_143 = arith.constant 0.000000e+00 : f32
    %broadcast_in_dim3A_144 = vector.broadcast %broadcast_in_dim3A_143 : f32 to vector<16xf32>
    %swap3A_145 = arith.constant 384 : index
    %swap3A_146 = tpu.vector_load %arg7[%swap3A_145] {strides = array<i32>} : memref<640xf32, #tpu.memory_space<vmem>>, vector<16xf32>,
    %swap3A_147 = vector.shape_cast %swap3A_146 : vector<16xf32> to vector<16xf32>
    %swap3A_148 = vector.shape_cast %broadcast_in_dim3A_144 : vector<16xf32> to vector<16xf32>
    tpu.vector_store %arg7[%swap3A_145], %swap3A_148 {strides = array<i32>} : memref<640xf32, #tpu.memory_space<vmem>>, vector<16xf32>,
    %broadcast_in_dim3A_149 = arith.constant 0.000000e+00 : f32
    %broadcast_in_dim3A_150 = vector.broadcast %broadcast_in_dim3A_149 : f32 to vector<16xf32>
    %swap3A_151 = arith.constant 400 : index
    %swap3A_152 = tpu.vector_load %arg7[%swap3A_151] {strides = array<i32>} : memref<640xf32, #tpu.memory_space<vmem>>, vector<16xf32>,
    %swap3A_153 = vector.shape_cast %swap3A_152 : vector<16xf32> to vector<16xf32>
    %swap3A_154 = vector.shape_cast %broadcast_in_dim3A_150 : vector<16xf32> to vector<16xf32>
    tpu.vector_store %arg7[%swap3A_151], %swap3A_154 {strides = array<i32>} : memref<640xf32, #tpu.memory_space<vmem>>, vector<16xf32>,
    %broadcast_in_dim3A_155 = arith.constant 0.000000e+00 : f32
    %broadcast_in_dim3A_156 = vector.broadcast %broadcast_in_dim3A_155 : f32 to vector<16xf32>
    %swap3A_157 = arith.constant 416 : index
    %swap3A_158 = tpu.vector_load %arg7[%swap3A_157] {strides = array<i32>} : memref<640xf32, #tpu.memory_space<vmem>>, vector<16xf32>,
    %swap3A_159 = vector.shape_cast %swap3A_158 : vector<16xf32> to vector<16xf32>
    %swap3A_160 = vector.shape_cast %broadcast_in_dim3A_156 : vector<16xf32> to vector<16xf32>
    tpu.vector_store %arg7[%swap3A_157], %swap3A_160 {strides = array<i32>} : memref<640xf32, #tpu.memory_space<vmem>>, vector<16xf32>,
    %broadcast_in_dim3A_161 = arith.constant 0.000000e+00 : f32
    %broadcast_in_dim3A_162 = vector.broadcast %broadcast_in_dim3A_161 : f32 to vector<16xf32>
    %swap3A_163 = arith.constant 432 : index
    %swap3A_164 = tpu.vector_load %arg7[%swap3A_163] {strides = array<i32>} : memref<640xf32, #tpu.memory_space<vmem>>, vector<16xf32>,
    %swap3A_165 = vector.shape_cast %swap3A_164 : vector<16xf32> to vector<16xf32>
    %swap3A_166 = vector.shape_cast %broadcast_in_dim3A_162 : vector<16xf32> to vector<16xf32>
    tpu.vector_store %arg7[%swap3A_163], %swap3A_166 {strides = array<i32>} : memref<640xf32, #tpu.memory_space<vmem>>, vector<16xf32>,
    %broadcast_in_dim3A_167 = arith.constant 0.000000e+00 : f32
    %broadcast_in_dim3A_168 = vector.broadcast %broadcast_in_dim3A_167 : f32 to vector<16xf32>
    %swap3A_169 = arith.constant 448 : index
    %swap3A_170 = tpu.vector_load %arg7[%swap3A_169] {strides = array<i32>} : memref<640xf32, #tpu.memory_space<vmem>>, vector<16xf32>,
    %swap3A_171 = vector.shape_cast %swap3A_170 : vector<16xf32> to vector<16xf32>
    %swap3A_172 = vector.shape_cast %broadcast_in_dim3A_168 : vector<16xf32> to vector<16xf32>
    tpu.vector_store %arg7[%swap3A_169], %swap3A_172 {strides = array<i32>} : memref<640xf32, #tpu.memory_space<vmem>>, vector<16xf32>,
    %broadcast_in_dim3A_173 = arith.constant 0.000000e+00 : f32
    %broadcast_in_dim3A_174 = vector.broadcast %broadcast_in_dim3A_173 : f32 to vector<16xf32>
    %swap3A_175 = arith.constant 464 : index
    %swap3A_176 = tpu.vector_load %arg7[%swap3A_175] {strides = array<i32>} : memref<640xf32, #tpu.memory_space<vmem>>, vector<16xf32>,
    %swap3A_177 = vector.shape_cast %swap3A_176 : vector<16xf32> to vector<16xf32>
    %swap3A_178 = vector.shape_cast %broadcast_in_dim3A_174 : vector<16xf32> to vector<16xf32>
    tpu.vector_store %arg7[%swap3A_175], %swap3A_178 {strides = array<i32>} : memref<640xf32, #tpu.memory_space<vmem>>, vector<16xf32>,
    %broadcast_in_dim3A_179 = arith.constant 0.000000e+00 : f32
    %broadcast_in_dim3A_180 = vector.broadcast %broadcast_in_dim3A_179 : f32 to vector<16xf32>
    %swap3A_181 = arith.constant 480 : index
    %swap3A_182 = tpu.vector_load %arg7[%swap3A_181] {strides = array<i32>} : memref<640xf32, #tpu.memory_space<vmem>>, vector<16xf32>,
    %swap3A_183 = vector.shape_cast %swap3A_182 : vector<16xf32> to vector<16xf32>
    %swap3A_184 = vector.shape_cast %broadcast_in_dim3A_180 : vector<16xf32> to vector<16xf32>
    tpu.vector_store %arg7[%swap3A_181], %swap3A_184 {strides = array<i32>} : memref<640xf32, #tpu.memory_space<vmem>>, vector<16xf32>,
    %broadcast_in_dim3A_185 = arith.constant 0.000000e+00 : f32
    %broadcast_in_dim3A_186 = vector.broadcast %broadcast_in_dim3A_185 : f32 to vector<16xf32>
    %swap3A_187 = arith.constant 496 : index
    %swap3A_188 = tpu.vector_load %arg7[%swap3A_187] {strides = array<i32>} : memref<640xf32, #tpu.memory_space<vmem>>, vector<16xf32>,
    %swap3A_189 = vector.shape_cast %swap3A_188 : vector<16xf32> to vector<16xf32>
    %swap3A_190 = vector.shape_cast %broadcast_in_dim3A_186 : vector<16xf32> to vector<16xf32>
    tpu.vector_store %arg7[%swap3A_187], %swap3A_190 {strides = array<i32>} : memref<640xf32, #tpu.memory_space<vmem>>, vector<16xf32>,
    %broadcast_in_dim3A_191 = arith.constant 0.000000e+00 : f32
    %broadcast_in_dim3A_192 = vector.broadcast %broadcast_in_dim3A_191 : f32 to vector<16xf32>
    %swap3A_193 = arith.constant 512 : index
    %swap3A_194 = tpu.vector_load %arg7[%swap3A_193] {strides = array<i32>} : memref<640xf32, #tpu.memory_space<vmem>>, vector<16xf32>,
    %swap3A_195 = vector.shape_cast %swap3A_194 : vector<16xf32> to vector<16xf32>
    %swap3A_196 = vector.shape_cast %broadcast_in_dim3A_192 : vector<16xf32> to vector<16xf32>
    tpu.vector_store %arg7[%swap3A_193], %swap3A_196 {strides = array<i32>} : memref<640xf32, #tpu.memory_space<vmem>>, vector<16xf32>,
    %broadcast_in_dim3A_197 = arith.constant 0.000000e+00 : f32
    %broadcast_in_dim3A_198 = vector.broadcast %broadcast_in_dim3A_197 : f32 to vector<16xf32>
    %swap3A_199 = arith.constant 528 : index
    %swap3A_200 = tpu.vector_load %arg7[%swap3A_199] {strides = array<i32>} : memref<640xf32, #tpu.memory_space<vmem>>, vector<16xf32>,
    %swap3A_201 = vector.shape_cast %swap3A_200 : vector<16xf32> to vector<16xf32>
    %swap3A_202 = vector.shape_cast %broadcast_in_dim3A_198 : vector<16xf32> to vector<16xf32>
    tpu.vector_store %arg7[%swap3A_199], %swap3A_202 {strides = array<i32>} : memref<640xf32, #tpu.memory_space<vmem>>, vector<16xf32>,
    %broadcast_in_dim3A_203 = arith.constant 0.000000e+00 : f32
    %broadcast_in_dim3A_204 = vector.broadcast %broadcast_in_dim3A_203 : f32 to vector<16xf32>
    %swap3A_205 = arith.constant 544 : index
    %swap3A_206 = tpu.vector_load %arg7[%swap3A_205] {strides = array<i32>} : memref<640xf32, #tpu.memory_space<vmem>>, vector<16xf32>,
    %swap3A_207 = vector.shape_cast %swap3A_206 : vector<16xf32> to vector<16xf32>
    %swap3A_208 = vector.shape_cast %broadcast_in_dim3A_204 : vector<16xf32> to vector<16xf32>
    tpu.vector_store %arg7[%swap3A_205], %swap3A_208 {strides = array<i32>} : memref<640xf32, #tpu.memory_space<vmem>>, vector<16xf32>,
    %broadcast_in_dim3A_209 = arith.constant 0.000000e+00 : f32
    %broadcast_in_dim3A_210 = vector.broadcast %broadcast_in_dim3A_209 : f32 to vector<16xf32>
    %swap3A_211 = arith.constant 560 : index
    %swap3A_212 = tpu.vector_load %arg7[%swap3A_211] {strides = array<i32>} : memref<640xf32, #tpu.memory_space<vmem>>, vector<16xf32>,
    %swap3A_213 = vector.shape_cast %swap3A_212 : vector<16xf32> to vector<16xf32>
    %swap3A_214 = vector.shape_cast %broadcast_in_dim3A_210 : vector<16xf32> to vector<16xf32>
    tpu.vector_store %arg7[%swap3A_211], %swap3A_214 {strides = array<i32>} : memref<640xf32, #tpu.memory_space<vmem>>, vector<16xf32>,
    %broadcast_in_dim3A_215 = arith.constant 0.000000e+00 : f32
    %broadcast_in_dim3A_216 = vector.broadcast %broadcast_in_dim3A_215 : f32 to vector<16xf32>
    %swap3A_217 = arith.constant 576 : index
    %swap3A_218 = tpu.vector_load %arg7[%swap3A_217] {strides = array<i32>} : memref<640xf32, #tpu.memory_space<vmem>>, vector<16xf32>,
    %swap3A_219 = vector.shape_cast %swap3A_218 : vector<16xf32> to vector<16xf32>
    %swap3A_220 = vector.shape_cast %broadcast_in_dim3A_216 : vector<16xf32> to vector<16xf32>
    tpu.vector_store %arg7[%swap3A_217], %swap3A_220 {strides = array<i32>} : memref<640xf32, #tpu.memory_space<vmem>>, vector<16xf32>,
    %broadcast_in_dim3A_221 = arith.constant 0.000000e+00 : f32
    %broadcast_in_dim3A_222 = vector.broadcast %broadcast_in_dim3A_221 : f32 to vector<16xf32>
    %swap3A_223 = arith.constant 592 : index
    %swap3A_224 = tpu.vector_load %arg7[%swap3A_223] {strides = array<i32>} : memref<640xf32, #tpu.memory_space<vmem>>, vector<16xf32>,
    %swap3A_225 = vector.shape_cast %swap3A_224 : vector<16xf32> to vector<16xf32>
    %swap3A_226 = vector.shape_cast %broadcast_in_dim3A_222 : vector<16xf32> to vector<16xf32>
    tpu.vector_store %arg7[%swap3A_223], %swap3A_226 {strides = array<i32>} : memref<640xf32, #tpu.memory_space<vmem>>, vector<16xf32>,
    %broadcast_in_dim3A_227 = arith.constant 0.000000e+00 : f32
    %broadcast_in_dim3A_228 = vector.broadcast %broadcast_in_dim3A_227 : f32 to vector<16xf32>
    %swap3A_229 = arith.constant 608 : index
    %swap3A_230 = tpu.vector_load %arg7[%swap3A_229] {strides = array<i32>} : memref<640xf32, #tpu.memory_space<vmem>>, vector<16xf32>,
    %swap3A_231 = vector.shape_cast %swap3A_230 : vector<16xf32> to vector<16xf32>
    %swap3A_232 = vector.shape_cast %broadcast_in_dim3A_228 : vector<16xf32> to vector<16xf32>
    tpu.vector_store %arg7[%swap3A_229], %swap3A_232 {strides = array<i32>} : memref<640xf32, #tpu.memory_space<vmem>>, vector<16xf32>,
    %broadcast_in_dim3A_233 = arith.constant 0.000000e+00 : f32
    %broadcast_in_dim3A_234 = vector.broadcast %broadcast_in_dim3A_233 : f32 to vector<16xf32>
    %swap3A_235 = arith.constant 624 : index
    %swap3A_236 = tpu.vector_load %arg7[%swap3A_235] {strides = array<i32>} : memref<640xf32, #tpu.memory_space<vmem>>, vector<16xf32>,
    %swap3A_237 = vector.shape_cast %swap3A_236 : vector<16xf32> to vector<16xf32>
    %swap3A_238 = vector.shape_cast %broadcast_in_dim3A_234 : vector<16xf32> to vector<16xf32>
    tpu.vector_store %arg7[%swap3A_235], %swap3A_238 {strides = array<i32>} : memref<640xf32, #tpu.memory_space<vmem>>, vector<16xf32>,
    %mul3A_239 = arith.constant 640 : i32
    %mul3A_240 = arith.muli %arg1, %mul3A_239 : i32
    %multiple_of3A = tpu.assume_multiple %mul3A_240, 8 : i32
    "tpu.region"() ({
      %run_scoped3A = tpu.sem_alloc : memref<!tpu.dma_semaphore, #tpu.memory_space<semaphore_mem>>
      %dma_start3A = tpu.memref_slice %arg8[%multiple_of3A] : memref<10240xf32, #tpu.memory_space<vmem_shared>> -> memref<640xf32, #tpu.memory_space<vmem_shared>>
      %dma_start3A_247 = tpu.memref_slice %arg8[%multiple_of3A] : memref<10240xf32, #tpu.memory_space<vmem_shared>> -> memref<640xf32, #tpu.memory_space<vmem_shared>>
      tpu.enqueue_dma source(%arg7 : memref<640xf32, #tpu.memory_space<vmem>>) target(%dma_start3A_247 : memref<640xf32, #tpu.memory_space<vmem_shared>>) target_semaphore(%run_scoped3A : memref<!tpu.dma_semaphore, #tpu.memory_space<semaphore_mem>>)
      %dma_wait3A = tpu.memref_slice %arg8[%multiple_of3A] : memref<10240xf32, #tpu.memory_space<vmem_shared>> -> memref<640xf32, #tpu.memory_space<vmem_shared>>
      %dma_wait3A_248 = tpu.memref_slice %arg8[%multiple_of3A] : memref<10240xf32, #tpu.memory_space<vmem_shared>> -> memref<640xf32, #tpu.memory_space<vmem_shared>>
      tpu.wait_dma2 semaphore(%run_scoped3A : memref<!tpu.dma_semaphore, #tpu.memory_space<semaphore_mem>>) src(%arg7 : memref<640xf32, #tpu.memory_space<vmem>>) dst(%dma_wait3A_248 : memref<640xf32, #tpu.memory_space<vmem_shared>>)
      tpu.yield
    }) : () -> ()
    %barrier3A = arith.constant 0 : index
    tpu.barrier barrier_id(%barrier3A)
    %scan3A = arith.constant 0 : i32
    %scan3A_241 = arith.constant 0 : i32
    %scan3A_242 = arith.constant 125 : i32
    %scan3A_243 = arith.addi %scan3A_241, %scan3A_242 : i32
    %scan3A_244 = arith.constant 1 : i32
    scf.for %scan3A_247 = %scan3A_241 to %scan3A_243 step %scan3A_244  : i32 {
      "tpu.region"() ({
        %run_scoped3A = tpu.sem_alloc : memref<!tpu.dma_semaphore, #tpu.memory_space<semaphore_mem>>
        %dma_start3A = arith.constant 0 : i32
        %dma_start3A_248 = tpu.memref_slice %arg6[%scan3A_247, %dma_start3A] : memref<125x80xf32, #tpu.memory_space<vmem>> -> memref<1x80xf32, #tpu.memory_space<vmem>>
        %dma_start3A_249 = tpu.memref_squeeze %dma_start3A_248 : memref<1x80xf32, #tpu.memory_space<vmem>> -> memref<80xf32, #tpu.memory_space<vmem>>
        %dma_start3A_250 = arith.constant 0 : i32
        %dma_start3A_251 = tpu.memref_slice %arg5[%scan3A_247, %dma_start3A_250] : memref<125x80xi32, #tpu.memory_space<vmem>> -> memref<1x80xi32, #tpu.memory_space<vmem>>
        %dma_start3A_252 = tpu.memref_squeeze %dma_start3A_251 : memref<1x80xi32, #tpu.memory_space<vmem>> -> memref<80xi32, #tpu.memory_space<vmem>>
        %dma_start3A_253 = arith.constant 0 : i32
        %dma_start3A_254 = tpu.memref_slice %arg8[%dma_start3A_253] : memref<10240xf32, #tpu.memory_space<vmem_shared>> -> memref<10240xf32, #tpu.memory_space<vmem_shared>>
        tpu.enqueue_indirect_dma source(%dma_start3A_249 : memref<80xf32, #tpu.memory_space<vmem>>) target(%dma_start3A_254 : memref<10240xf32, #tpu.memory_space<vmem_shared>>) offsets(%dma_start3A_252 : memref<80xi32, #tpu.memory_space<vmem>>) semaphore(%run_scoped3A : memref<!tpu.dma_semaphore, #tpu.memory_space<semaphore_mem>>) {add = true}
        %dma_wait3A = arith.constant 0 : i32
        %dma_wait3A_255 = tpu.memref_slice %arg6[%scan3A_247, %dma_wait3A] : memref<125x80xf32, #tpu.memory_space<vmem>> -> memref<1x80xf32, #tpu.memory_space<vmem>>
        %dma_wait3A_256 = tpu.memref_squeeze %dma_wait3A_255 : memref<1x80xf32, #tpu.memory_space<vmem>> -> memref<80xf32, #tpu.memory_space<vmem>>
        %dma_wait3A_257 = arith.constant 0 : i32
        %dma_wait3A_258 = tpu.memref_slice %arg5[%scan3A_247, %dma_wait3A_257] : memref<125x80xi32, #tpu.memory_space<vmem>> -> memref<1x80xi32, #tpu.memory_space<vmem>>
        %dma_wait3A_259 = tpu.memref_squeeze %dma_wait3A_258 : memref<1x80xi32, #tpu.memory_space<vmem>> -> memref<80xi32, #tpu.memory_space<vmem>>
        %dma_wait3A_260 = arith.constant 0 : i32
        %dma_wait3A_261 = tpu.memref_slice %arg8[%dma_wait3A_260] : memref<10240xf32, #tpu.memory_space<vmem_shared>> -> memref<10240xf32, #tpu.memory_space<vmem_shared>>
        tpu.wait_indirect_dma semaphore(%run_scoped3A : memref<!tpu.dma_semaphore, #tpu.memory_space<semaphore_mem>>) src(%dma_wait3A_256 : memref<80xf32, #tpu.memory_space<vmem>>) dst(%dma_wait3A_261 : memref<10240xf32, #tpu.memory_space<vmem_shared>>)
        tpu.yield
      }) : () -> ()
    }
    %scan3A_245 = arith.constant 125 : i32
    %barrier3A_246 = arith.constant 0 : index
    tpu.barrier barrier_id(%barrier3A_246)
    "tpu.region"() ({
      %run_scoped3A = tpu.sem_alloc : memref<!tpu.dma_semaphore, #tpu.memory_space<semaphore_mem>>
      %dma_start3A = tpu.memref_slice %arg4[%arg0, %multiple_of3A] : memref<2x10240xf32, #tpu.memory_space<hbm>> -> memref<1x640xf32, #tpu.memory_space<hbm>>
      %dma_start3A_247 = tpu.memref_squeeze %dma_start3A : memref<1x640xf32, #tpu.memory_space<hbm>> -> memref<640xf32, #tpu.memory_space<hbm>>
      %dma_start3A_248 = tpu.memref_slice %arg8[%multiple_of3A] : memref<10240xf32, #tpu.memory_space<vmem_shared>> -> memref<640xf32, #tpu.memory_space<vmem_shared>>
      tpu.enqueue_dma source(%dma_start3A_248 : memref<640xf32, #tpu.memory_space<vmem_shared>>) target(%dma_start3A_247 : memref<640xf32, #tpu.memory_space<hbm>>) target_semaphore(%run_scoped3A : memref<!tpu.dma_semaphore, #tpu.memory_space<semaphore_mem>>)
      %dma_wait3A = tpu.memref_slice %arg4[%arg0, %multiple_of3A] : memref<2x10240xf32, #tpu.memory_space<hbm>> -> memref<1x640xf32, #tpu.memory_space<hbm>>
      %dma_wait3A_249 = tpu.memref_squeeze %dma_wait3A : memref<1x640xf32, #tpu.memory_space<hbm>> -> memref<640xf32, #tpu.memory_space<hbm>>
      %dma_wait3A_250 = tpu.memref_slice %arg8[%multiple_of3A] : memref<10240xf32, #tpu.memory_space<vmem_shared>> -> memref<640xf32, #tpu.memory_space<vmem_shared>>
      tpu.wait_dma2 semaphore(%run_scoped3A : memref<!tpu.dma_semaphore, #tpu.memory_space<semaphore_mem>>) src(%dma_wait3A_250 : memref<640xf32, #tpu.memory_space<vmem_shared>>) dst(%dma_wait3A_249 : memref<640xf32, #tpu.memory_space<hbm>>)
      tpu.yield
    }) : () -> ()
    return
  }
}

#map = affine_map<(d0, d1) -> (0, 0)>
#map1 = affine_map<(d0, d1) -> (0, 0, 0, 0)>
#map2 = affine_map<(d0, d1) -> (0, 0, 0)>
module attributes {stable_mosaic.version = 14 : i64} {
  func.func @k(%arg0: i32, %arg1: i32, %arg2: memref<10000x128xf32, #tpu.memory_space<hbm>>, %arg3: memref<32x5x25x80xi32, #tpu.memory_space<hbm>>, %arg4: memref<32x5x25x80xi32, #tpu.memory_space<hbm>>, %arg5: memref<32x5x25x80xf32, #tpu.memory_space<hbm>>, %arg6: memref<640x128xf32, #tpu.memory_space<hbm>>, %arg7: memref<2x10240x128xf32, #tpu.memory_space<hbm>>, %arg8: memref<25x80xi32, #tpu.memory_space<vmem>>, %arg9: memref<25x80xi32, #tpu.memory_space<vmem>>, %arg10: memref<25x80xf32, #tpu.memory_space<vmem>>, %arg11: memref<80x128xf32, #tpu.memory_space<vmem>>, %arg12: memref<10240x128xf32, #tpu.memory_space<vmem_shared>>, %arg13: memref<!tpu.dma_semaphore, #tpu.memory_space<semaphore_mem>>) attributes {dimension_semantics = [#tpu.dimension_semantics<core_parallel>, #tpu.dimension_semantics<subcore_parallel>], iteration_bounds = array<i64: 2, 16>, scalar_prefetch = 0 : i64, scratch_operands = 6 : i64, tpu.core_type = #tpu.core_type<sc_vector_subcore>, window_params = [{transform_indices = #map}, {transform_indices = #map1}, {transform_indices = #map1}, {transform_indices = #map1}, {transform_indices = #map}, {transform_indices = #map2}]} {
    %mul3A = arith.constant 16 : i32
    %mul3A_0 = arith.muli %arg0, %mul3A : i32
    %add3A = arith.addi %mul3A_0, %arg1 : i32
    %mul3A_1 = arith.constant 640 : i32
    %mul3A_2 = arith.muli %arg1, %mul3A_1 : i32
    %multiple_of3A = tpu.assume_multiple %mul3A_2, 8 : i32
    "tpu.region"() ({
      %run_scoped3A = tpu.sem_alloc : memref<!tpu.dma_semaphore, #tpu.memory_space<semaphore_mem>>
      %dma_start3A = arith.constant 0 : i32
      %dma_start3A_9 = tpu.memref_slice %arg12[%multiple_of3A, %dma_start3A] : memref<10240x128xf32, #tpu.memory_space<vmem_shared>> -> memref<640x128xf32, #tpu.memory_space<vmem_shared>>
      tpu.enqueue_dma source(%arg6 : memref<640x128xf32, #tpu.memory_space<hbm>>) target(%dma_start3A_9 : memref<640x128xf32, #tpu.memory_space<vmem_shared>>) target_semaphore(%run_scoped3A : memref<!tpu.dma_semaphore, #tpu.memory_space<semaphore_mem>>)
      %dma_wait3A = arith.constant 0 : i32
      %dma_wait3A_10 = tpu.memref_slice %arg12[%multiple_of3A, %dma_wait3A] : memref<10240x128xf32, #tpu.memory_space<vmem_shared>> -> memref<640x128xf32, #tpu.memory_space<vmem_shared>>
      tpu.wait_dma2 semaphore(%run_scoped3A : memref<!tpu.dma_semaphore, #tpu.memory_space<semaphore_mem>>) src(%arg6 : memref<640x128xf32, #tpu.memory_space<hbm>>) dst(%dma_wait3A_10 : memref<640x128xf32, #tpu.memory_space<vmem_shared>>)
      tpu.yield
    }) : () -> ()
    %barrier3A = arith.constant 0 : index
    tpu.barrier barrier_id(%barrier3A)
    %scan3A = arith.constant 0 : i32
    %scan3A_3 = arith.constant 0 : i32
    %scan3A_4 = arith.constant 5 : i32
    %scan3A_5 = arith.addi %scan3A_3, %scan3A_4 : i32
    %scan3A_6 = arith.constant 1 : i32
    scf.for %scan3A_9 = %scan3A_3 to %scan3A_5 step %scan3A_6  : i32 {
      "tpu.region"() ({
        %run_scoped3A = tpu.sem_alloc : memref<!tpu.dma_semaphore, #tpu.memory_space<semaphore_mem>>
        %dma_start3A = arith.constant 0 : i32
        %dma_start3A_16 = arith.constant 0 : i32
        %dma_start3A_17 = tpu.memref_slice %arg3[%add3A, %scan3A_9, %dma_start3A, %dma_start3A_16] : memref<32x5x25x80xi32, #tpu.memory_space<hbm>> -> memref<1x1x25x80xi32, #tpu.memory_space<hbm>>
        %dma_start3A_18 = tpu.memref_squeeze %dma_start3A_17 : memref<1x1x25x80xi32, #tpu.memory_space<hbm>> -> memref<25x80xi32, #tpu.memory_space<hbm>>
        %dma_start3A_19 = arith.constant 0 : i32
        %dma_start3A_20 = arith.constant 0 : i32
        %dma_start3A_21 = tpu.memref_slice %arg3[%add3A, %scan3A_9, %dma_start3A_19, %dma_start3A_20] : memref<32x5x25x80xi32, #tpu.memory_space<hbm>> -> memref<1x1x25x80xi32, #tpu.memory_space<hbm>>
        %dma_start3A_22 = tpu.memref_squeeze %dma_start3A_21 : memref<1x1x25x80xi32, #tpu.memory_space<hbm>> -> memref<25x80xi32, #tpu.memory_space<hbm>>
        tpu.enqueue_dma source(%dma_start3A_22 : memref<25x80xi32, #tpu.memory_space<hbm>>) target(%arg8 : memref<25x80xi32, #tpu.memory_space<vmem>>) target_semaphore(%run_scoped3A : memref<!tpu.dma_semaphore, #tpu.memory_space<semaphore_mem>>)
        %dma_wait3A = arith.constant 0 : i32
        %dma_wait3A_23 = arith.constant 0 : i32
        %dma_wait3A_24 = tpu.memref_slice %arg3[%add3A, %scan3A_9, %dma_wait3A, %dma_wait3A_23] : memref<32x5x25x80xi32, #tpu.memory_space<hbm>> -> memref<1x1x25x80xi32, #tpu.memory_space<hbm>>
        %dma_wait3A_25 = tpu.memref_squeeze %dma_wait3A_24 : memref<1x1x25x80xi32, #tpu.memory_space<hbm>> -> memref<25x80xi32, #tpu.memory_space<hbm>>
        %dma_wait3A_26 = arith.constant 0 : i32
        %dma_wait3A_27 = arith.constant 0 : i32
        %dma_wait3A_28 = tpu.memref_slice %arg3[%add3A, %scan3A_9, %dma_wait3A_26, %dma_wait3A_27] : memref<32x5x25x80xi32, #tpu.memory_space<hbm>> -> memref<1x1x25x80xi32, #tpu.memory_space<hbm>>
        %dma_wait3A_29 = tpu.memref_squeeze %dma_wait3A_28 : memref<1x1x25x80xi32, #tpu.memory_space<hbm>> -> memref<25x80xi32, #tpu.memory_space<hbm>>
        tpu.wait_dma2 semaphore(%run_scoped3A : memref<!tpu.dma_semaphore, #tpu.memory_space<semaphore_mem>>) src(%dma_wait3A_29 : memref<25x80xi32, #tpu.memory_space<hbm>>) dst(%arg8 : memref<25x80xi32, #tpu.memory_space<vmem>>)
        tpu.yield
      }) : () -> ()
      "tpu.region"() ({
        %run_scoped3A = tpu.sem_alloc : memref<!tpu.dma_semaphore, #tpu.memory_space<semaphore_mem>>
        %dma_start3A = arith.constant 0 : i32
        %dma_start3A_16 = arith.constant 0 : i32
        %dma_start3A_17 = tpu.memref_slice %arg4[%add3A, %scan3A_9, %dma_start3A, %dma_start3A_16] : memref<32x5x25x80xi32, #tpu.memory_space<hbm>> -> memref<1x1x25x80xi32, #tpu.memory_space<hbm>>
        %dma_start3A_18 = tpu.memref_squeeze %dma_start3A_17 : memref<1x1x25x80xi32, #tpu.memory_space<hbm>> -> memref<25x80xi32, #tpu.memory_space<hbm>>
        %dma_start3A_19 = arith.constant 0 : i32
        %dma_start3A_20 = arith.constant 0 : i32
        %dma_start3A_21 = tpu.memref_slice %arg4[%add3A, %scan3A_9, %dma_start3A_19, %dma_start3A_20] : memref<32x5x25x80xi32, #tpu.memory_space<hbm>> -> memref<1x1x25x80xi32, #tpu.memory_space<hbm>>
        %dma_start3A_22 = tpu.memref_squeeze %dma_start3A_21 : memref<1x1x25x80xi32, #tpu.memory_space<hbm>> -> memref<25x80xi32, #tpu.memory_space<hbm>>
        tpu.enqueue_dma source(%dma_start3A_22 : memref<25x80xi32, #tpu.memory_space<hbm>>) target(%arg9 : memref<25x80xi32, #tpu.memory_space<vmem>>) target_semaphore(%run_scoped3A : memref<!tpu.dma_semaphore, #tpu.memory_space<semaphore_mem>>)
        %dma_wait3A = arith.constant 0 : i32
        %dma_wait3A_23 = arith.constant 0 : i32
        %dma_wait3A_24 = tpu.memref_slice %arg4[%add3A, %scan3A_9, %dma_wait3A, %dma_wait3A_23] : memref<32x5x25x80xi32, #tpu.memory_space<hbm>> -> memref<1x1x25x80xi32, #tpu.memory_space<hbm>>
        %dma_wait3A_25 = tpu.memref_squeeze %dma_wait3A_24 : memref<1x1x25x80xi32, #tpu.memory_space<hbm>> -> memref<25x80xi32, #tpu.memory_space<hbm>>
        %dma_wait3A_26 = arith.constant 0 : i32
        %dma_wait3A_27 = arith.constant 0 : i32
        %dma_wait3A_28 = tpu.memref_slice %arg4[%add3A, %scan3A_9, %dma_wait3A_26, %dma_wait3A_27] : memref<32x5x25x80xi32, #tpu.memory_space<hbm>> -> memref<1x1x25x80xi32, #tpu.memory_space<hbm>>
        %dma_wait3A_29 = tpu.memref_squeeze %dma_wait3A_28 : memref<1x1x25x80xi32, #tpu.memory_space<hbm>> -> memref<25x80xi32, #tpu.memory_space<hbm>>
        tpu.wait_dma2 semaphore(%run_scoped3A : memref<!tpu.dma_semaphore, #tpu.memory_space<semaphore_mem>>) src(%dma_wait3A_29 : memref<25x80xi32, #tpu.memory_space<hbm>>) dst(%arg9 : memref<25x80xi32, #tpu.memory_space<vmem>>)
        tpu.yield
      }) : () -> ()
      "tpu.region"() ({
        %run_scoped3A = tpu.sem_alloc : memref<!tpu.dma_semaphore, #tpu.memory_space<semaphore_mem>>
        %dma_start3A = arith.constant 0 : i32
        %dma_start3A_16 = arith.constant 0 : i32
        %dma_start3A_17 = tpu.memref_slice %arg5[%add3A, %scan3A_9, %dma_start3A, %dma_start3A_16] : memref<32x5x25x80xf32, #tpu.memory_space<hbm>> -> memref<1x1x25x80xf32, #tpu.memory_space<hbm>>
        %dma_start3A_18 = tpu.memref_squeeze %dma_start3A_17 : memref<1x1x25x80xf32, #tpu.memory_space<hbm>> -> memref<25x80xf32, #tpu.memory_space<hbm>>
        %dma_start3A_19 = arith.constant 0 : i32
        %dma_start3A_20 = arith.constant 0 : i32
        %dma_start3A_21 = tpu.memref_slice %arg5[%add3A, %scan3A_9, %dma_start3A_19, %dma_start3A_20] : memref<32x5x25x80xf32, #tpu.memory_space<hbm>> -> memref<1x1x25x80xf32, #tpu.memory_space<hbm>>
        %dma_start3A_22 = tpu.memref_squeeze %dma_start3A_21 : memref<1x1x25x80xf32, #tpu.memory_space<hbm>> -> memref<25x80xf32, #tpu.memory_space<hbm>>
        tpu.enqueue_dma source(%dma_start3A_22 : memref<25x80xf32, #tpu.memory_space<hbm>>) target(%arg10 : memref<25x80xf32, #tpu.memory_space<vmem>>) target_semaphore(%run_scoped3A : memref<!tpu.dma_semaphore, #tpu.memory_space<semaphore_mem>>)
        %dma_wait3A = arith.constant 0 : i32
        %dma_wait3A_23 = arith.constant 0 : i32
        %dma_wait3A_24 = tpu.memref_slice %arg5[%add3A, %scan3A_9, %dma_wait3A, %dma_wait3A_23] : memref<32x5x25x80xf32, #tpu.memory_space<hbm>> -> memref<1x1x25x80xf32, #tpu.memory_space<hbm>>
        %dma_wait3A_25 = tpu.memref_squeeze %dma_wait3A_24 : memref<1x1x25x80xf32, #tpu.memory_space<hbm>> -> memref<25x80xf32, #tpu.memory_space<hbm>>
        %dma_wait3A_26 = arith.constant 0 : i32
        %dma_wait3A_27 = arith.constant 0 : i32
        %dma_wait3A_28 = tpu.memref_slice %arg5[%add3A, %scan3A_9, %dma_wait3A_26, %dma_wait3A_27] : memref<32x5x25x80xf32, #tpu.memory_space<hbm>> -> memref<1x1x25x80xf32, #tpu.memory_space<hbm>>
        %dma_wait3A_29 = tpu.memref_squeeze %dma_wait3A_28 : memref<1x1x25x80xf32, #tpu.memory_space<hbm>> -> memref<25x80xf32, #tpu.memory_space<hbm>>
        tpu.wait_dma2 semaphore(%run_scoped3A : memref<!tpu.dma_semaphore, #tpu.memory_space<semaphore_mem>>) src(%dma_wait3A_29 : memref<25x80xf32, #tpu.memory_space<hbm>>) dst(%arg10 : memref<25x80xf32, #tpu.memory_space<vmem>>)
        tpu.yield
      }) : () -> ()
      %scan3A_10 = arith.constant 0 : i32
      %scan3A_11 = arith.constant 0 : i32
      %scan3A_12 = arith.constant 25 : i32
      %scan3A_13 = arith.addi %scan3A_11, %scan3A_12 : i32
      %scan3A_14 = arith.constant 1 : i32
      scf.for %scan3A_16 = %scan3A_11 to %scan3A_13 step %scan3A_14  : i32 {
        %dma_start3A = arith.constant 0 : i32
        %dma_start3A_17 = tpu.memref_slice %arg8[%scan3A_16, %dma_start3A] : memref<25x80xi32, #tpu.memory_space<vmem>> -> memref<1x80xi32, #tpu.memory_space<vmem>>
        %dma_start3A_18 = tpu.memref_squeeze %dma_start3A_17 : memref<1x80xi32, #tpu.memory_space<vmem>> -> memref<80xi32, #tpu.memory_space<vmem>>
        %dma_start3A_19 = arith.constant 0 : i32
        %dma_start3A_20 = arith.constant 0 : i32
        %dma_start3A_21 = tpu.memref_slice %arg2[%dma_start3A_19, %dma_start3A_20] : memref<10000x128xf32, #tpu.memory_space<hbm>> -> memref<10000x128xf32, #tpu.memory_space<hbm>>
        tpu.enqueue_indirect_dma source(%dma_start3A_21 : memref<10000x128xf32, #tpu.memory_space<hbm>>) target(%arg11 : memref<80x128xf32, #tpu.memory_space<vmem>>) offsets(%dma_start3A_18 : memref<80xi32, #tpu.memory_space<vmem>>) semaphore(%arg13 : memref<!tpu.dma_semaphore, #tpu.memory_space<semaphore_mem>>)
        %dma_wait3A = arith.constant 0 : i32
        %dma_wait3A_22 = tpu.memref_slice %arg8[%scan3A_16, %dma_wait3A] : memref<25x80xi32, #tpu.memory_space<vmem>> -> memref<1x80xi32, #tpu.memory_space<vmem>>
        %dma_wait3A_23 = tpu.memref_squeeze %dma_wait3A_22 : memref<1x80xi32, #tpu.memory_space<vmem>> -> memref<80xi32, #tpu.memory_space<vmem>>
        %dma_wait3A_24 = arith.constant 0 : i32
        %dma_wait3A_25 = arith.constant 0 : i32
        %dma_wait3A_26 = tpu.memref_slice %arg2[%dma_wait3A_24, %dma_wait3A_25] : memref<10000x128xf32, #tpu.memory_space<hbm>> -> memref<10000x128xf32, #tpu.memory_space<hbm>>
        tpu.wait_indirect_dma semaphore(%arg13 : memref<!tpu.dma_semaphore, #tpu.memory_space<semaphore_mem>>) src(%dma_wait3A_26 : memref<10000x128xf32, #tpu.memory_space<hbm>>) dst(%arg11 : memref<80x128xf32, #tpu.memory_space<vmem>>)
        %scan3A_27 = arith.constant 0 : i32
        %scan3A_28 = arith.constant 0 : i32
        %scan3A_29 = arith.constant 5 : i32
        %scan3A_30 = arith.addi %scan3A_28, %scan3A_29 : i32
        %scan3A_31 = arith.constant 1 : i32
        scf.for %scan3A_33 = %scan3A_28 to %scan3A_30 step %scan3A_31  : i32 {
          %mul3A_34 = arith.constant 16 : i32
          %mul3A_35 = arith.muli %scan3A_33, %mul3A_34 : i32
          %get3A = arith.index_cast %scan3A_16 : i32 to index
          %get3A_36 = arith.index_cast %mul3A_35 : i32 to index
          %get3A_37 = tpu.vector_load %arg10[%get3A, %get3A_36] {strides = array<i32>} : memref<25x80xf32, #tpu.memory_space<vmem>>, vector<1x16xf32>,
          %get3A_38 = vector.shape_cast %get3A_37 : vector<1x16xf32> to vector<16xf32>
          %scan3A_39 = arith.constant 0 : i32
          %scan3A_40 = arith.constant 0 : i32
          %scan3A_41 = arith.constant 16 : i32
          %scan3A_42 = arith.addi %scan3A_40, %scan3A_41 : i32
          %scan3A_43 = arith.constant 1 : i32
          scf.for %scan3A_45 = %scan3A_40 to %scan3A_42 step %scan3A_43  : i32 {
            %mul3A_46 = arith.constant 16 : i32
            %mul3A_47 = arith.muli %scan3A_33, %mul3A_46 : i32
            %add3A_48 = arith.addi %mul3A_47, %scan3A_45 : i32
            %broadcast_in_dim3A = vector.broadcast %scan3A_45 : i32 to vector<16x1xi32>
            %gather3A = vector.shape_cast %broadcast_in_dim3A : vector<16x1xi32> to vector<16xi32>
            %gather3A_49 = tpu.dynamic_gather %get3A_38[%gather3A] in [0] : vector<16xf32>, vector<16xi32> -> vector<16xf32>
            %get3A_50 = arith.index_cast %add3A_48 : i32 to index
            %get3A_51 = arith.constant 0 : index
            %get3A_52 = tpu.vector_load %arg11[%get3A_50, %get3A_51] {strides = array<i32>} : memref<80x128xf32, #tpu.memory_space<vmem>>, vector<1x16xf32>,
            %get3A_53 = vector.shape_cast %get3A_52 : vector<1x16xf32> to vector<16xf32>
            %mul3A_54 = arith.mulf %get3A_53, %gather3A_49 : vector<16xf32>
            %swap3A = arith.index_cast %add3A_48 : i32 to index
            %swap3A_55 = arith.constant 0 : index
            %swap3A_56 = tpu.vector_load %arg11[%swap3A, %swap3A_55] {strides = array<i32>} : memref<80x128xf32, #tpu.memory_space<vmem>>, vector<1x16xf32>,
            %swap3A_57 = vector.shape_cast %swap3A_56 : vector<1x16xf32> to vector<16xf32>
            %swap3A_58 = vector.shape_cast %mul3A_54 : vector<16xf32> to vector<1x16xf32>
            tpu.vector_store %arg11[%swap3A, %swap3A_55], %swap3A_58 {strides = array<i32>} : memref<80x128xf32, #tpu.memory_space<vmem>>, vector<1x16xf32>,
            %get3A_59 = arith.index_cast %add3A_48 : i32 to index
            %get3A_60 = arith.constant 16 : index
            %get3A_61 = tpu.vector_load %arg11[%get3A_59, %get3A_60] {strides = array<i32>} : memref<80x128xf32, #tpu.memory_space<vmem>>, vector<1x16xf32>,
            %get3A_62 = vector.shape_cast %get3A_61 : vector<1x16xf32> to vector<16xf32>
            %mul3A_63 = arith.mulf %get3A_62, %gather3A_49 : vector<16xf32>
            %swap3A_64 = arith.index_cast %add3A_48 : i32 to index
            %swap3A_65 = arith.constant 16 : index
            %swap3A_66 = tpu.vector_load %arg11[%swap3A_64, %swap3A_65] {strides = array<i32>} : memref<80x128xf32, #tpu.memory_space<vmem>>, vector<1x16xf32>,
            %swap3A_67 = vector.shape_cast %swap3A_66 : vector<1x16xf32> to vector<16xf32>
            %swap3A_68 = vector.shape_cast %mul3A_63 : vector<16xf32> to vector<1x16xf32>
            tpu.vector_store %arg11[%swap3A_64, %swap3A_65], %swap3A_68 {strides = array<i32>} : memref<80x128xf32, #tpu.memory_space<vmem>>, vector<1x16xf32>,
            %get3A_69 = arith.index_cast %add3A_48 : i32 to index
            %get3A_70 = arith.constant 32 : index
            %get3A_71 = tpu.vector_load %arg11[%get3A_69, %get3A_70] {strides = array<i32>} : memref<80x128xf32, #tpu.memory_space<vmem>>, vector<1x16xf32>,
            %get3A_72 = vector.shape_cast %get3A_71 : vector<1x16xf32> to vector<16xf32>
            %mul3A_73 = arith.mulf %get3A_72, %gather3A_49 : vector<16xf32>
            %swap3A_74 = arith.index_cast %add3A_48 : i32 to index
            %swap3A_75 = arith.constant 32 : index
            %swap3A_76 = tpu.vector_load %arg11[%swap3A_74, %swap3A_75] {strides = array<i32>} : memref<80x128xf32, #tpu.memory_space<vmem>>, vector<1x16xf32>,
            %swap3A_77 = vector.shape_cast %swap3A_76 : vector<1x16xf32> to vector<16xf32>
            %swap3A_78 = vector.shape_cast %mul3A_73 : vector<16xf32> to vector<1x16xf32>
            tpu.vector_store %arg11[%swap3A_74, %swap3A_75], %swap3A_78 {strides = array<i32>} : memref<80x128xf32, #tpu.memory_space<vmem>>, vector<1x16xf32>,
            %get3A_79 = arith.index_cast %add3A_48 : i32 to index
            %get3A_80 = arith.constant 48 : index
            %get3A_81 = tpu.vector_load %arg11[%get3A_79, %get3A_80] {strides = array<i32>} : memref<80x128xf32, #tpu.memory_space<vmem>>, vector<1x16xf32>,
            %get3A_82 = vector.shape_cast %get3A_81 : vector<1x16xf32> to vector<16xf32>
            %mul3A_83 = arith.mulf %get3A_82, %gather3A_49 : vector<16xf32>
            %swap3A_84 = arith.index_cast %add3A_48 : i32 to index
            %swap3A_85 = arith.constant 48 : index
            %swap3A_86 = tpu.vector_load %arg11[%swap3A_84, %swap3A_85] {strides = array<i32>} : memref<80x128xf32, #tpu.memory_space<vmem>>, vector<1x16xf32>,
            %swap3A_87 = vector.shape_cast %swap3A_86 : vector<1x16xf32> to vector<16xf32>
            %swap3A_88 = vector.shape_cast %mul3A_83 : vector<16xf32> to vector<1x16xf32>
            tpu.vector_store %arg11[%swap3A_84, %swap3A_85], %swap3A_88 {strides = array<i32>} : memref<80x128xf32, #tpu.memory_space<vmem>>, vector<1x16xf32>,
            %get3A_89 = arith.index_cast %add3A_48 : i32 to index
            %get3A_90 = arith.constant 64 : index
            %get3A_91 = tpu.vector_load %arg11[%get3A_89, %get3A_90] {strides = array<i32>} : memref<80x128xf32, #tpu.memory_space<vmem>>, vector<1x16xf32>,
            %get3A_92 = vector.shape_cast %get3A_91 : vector<1x16xf32> to vector<16xf32>
            %mul3A_93 = arith.mulf %get3A_92, %gather3A_49 : vector<16xf32>
            %swap3A_94 = arith.index_cast %add3A_48 : i32 to index
            %swap3A_95 = arith.constant 64 : index
            %swap3A_96 = tpu.vector_load %arg11[%swap3A_94, %swap3A_95] {strides = array<i32>} : memref<80x128xf32, #tpu.memory_space<vmem>>, vector<1x16xf32>,
            %swap3A_97 = vector.shape_cast %swap3A_96 : vector<1x16xf32> to vector<16xf32>
            %swap3A_98 = vector.shape_cast %mul3A_93 : vector<16xf32> to vector<1x16xf32>
            tpu.vector_store %arg11[%swap3A_94, %swap3A_95], %swap3A_98 {strides = array<i32>} : memref<80x128xf32, #tpu.memory_space<vmem>>, vector<1x16xf32>,
            %get3A_99 = arith.index_cast %add3A_48 : i32 to index
            %get3A_100 = arith.constant 80 : index
            %get3A_101 = tpu.vector_load %arg11[%get3A_99, %get3A_100] {strides = array<i32>} : memref<80x128xf32, #tpu.memory_space<vmem>>, vector<1x16xf32>,
            %get3A_102 = vector.shape_cast %get3A_101 : vector<1x16xf32> to vector<16xf32>
            %mul3A_103 = arith.mulf %get3A_102, %gather3A_49 : vector<16xf32>
            %swap3A_104 = arith.index_cast %add3A_48 : i32 to index
            %swap3A_105 = arith.constant 80 : index
            %swap3A_106 = tpu.vector_load %arg11[%swap3A_104, %swap3A_105] {strides = array<i32>} : memref<80x128xf32, #tpu.memory_space<vmem>>, vector<1x16xf32>,
            %swap3A_107 = vector.shape_cast %swap3A_106 : vector<1x16xf32> to vector<16xf32>
            %swap3A_108 = vector.shape_cast %mul3A_103 : vector<16xf32> to vector<1x16xf32>
            tpu.vector_store %arg11[%swap3A_104, %swap3A_105], %swap3A_108 {strides = array<i32>} : memref<80x128xf32, #tpu.memory_space<vmem>>, vector<1x16xf32>,
            %get3A_109 = arith.index_cast %add3A_48 : i32 to index
            %get3A_110 = arith.constant 96 : index
            %get3A_111 = tpu.vector_load %arg11[%get3A_109, %get3A_110] {strides = array<i32>} : memref<80x128xf32, #tpu.memory_space<vmem>>, vector<1x16xf32>,
            %get3A_112 = vector.shape_cast %get3A_111 : vector<1x16xf32> to vector<16xf32>
            %mul3A_113 = arith.mulf %get3A_112, %gather3A_49 : vector<16xf32>
            %swap3A_114 = arith.index_cast %add3A_48 : i32 to index
            %swap3A_115 = arith.constant 96 : index
            %swap3A_116 = tpu.vector_load %arg11[%swap3A_114, %swap3A_115] {strides = array<i32>} : memref<80x128xf32, #tpu.memory_space<vmem>>, vector<1x16xf32>,
            %swap3A_117 = vector.shape_cast %swap3A_116 : vector<1x16xf32> to vector<16xf32>
            %swap3A_118 = vector.shape_cast %mul3A_113 : vector<16xf32> to vector<1x16xf32>
            tpu.vector_store %arg11[%swap3A_114, %swap3A_115], %swap3A_118 {strides = array<i32>} : memref<80x128xf32, #tpu.memory_space<vmem>>, vector<1x16xf32>,
            %get3A_119 = arith.index_cast %add3A_48 : i32 to index
            %get3A_120 = arith.constant 112 : index
            %get3A_121 = tpu.vector_load %arg11[%get3A_119, %get3A_120] {strides = array<i32>} : memref<80x128xf32, #tpu.memory_space<vmem>>, vector<1x16xf32>,
            %get3A_122 = vector.shape_cast %get3A_121 : vector<1x16xf32> to vector<16xf32>
            %mul3A_123 = arith.mulf %get3A_122, %gather3A_49 : vector<16xf32>
            %swap3A_124 = arith.index_cast %add3A_48 : i32 to index
            %swap3A_125 = arith.constant 112 : index
            %swap3A_126 = tpu.vector_load %arg11[%swap3A_124, %swap3A_125] {strides = array<i32>} : memref<80x128xf32, #tpu.memory_space<vmem>>, vector<1x16xf32>,
            %swap3A_127 = vector.shape_cast %swap3A_126 : vector<1x16xf32> to vector<16xf32>
            %swap3A_128 = vector.shape_cast %mul3A_123 : vector<16xf32> to vector<1x16xf32>
            tpu.vector_store %arg11[%swap3A_124, %swap3A_125], %swap3A_128 {strides = array<i32>} : memref<80x128xf32, #tpu.memory_space<vmem>>, vector<1x16xf32>,
          }
          %scan3A_44 = arith.constant 16 : i32
        }
        %scan3A_32 = arith.constant 5 : i32
        "tpu.region"() ({
          %run_scoped3A = tpu.sem_alloc : memref<!tpu.dma_semaphore, #tpu.memory_space<semaphore_mem>>
          %dma_start3A_33 = arith.constant 0 : i32
          %dma_start3A_34 = tpu.memref_slice %arg9[%scan3A_16, %dma_start3A_33] : memref<25x80xi32, #tpu.memory_space<vmem>> -> memref<1x80xi32, #tpu.memory_space<vmem>>
          %dma_start3A_35 = tpu.memref_squeeze %dma_start3A_34 : memref<1x80xi32, #tpu.memory_space<vmem>> -> memref<80xi32, #tpu.memory_space<vmem>>
          %dma_start3A_36 = arith.constant 0 : i32
          %dma_start3A_37 = arith.constant 0 : i32
          %dma_start3A_38 = tpu.memref_slice %arg12[%dma_start3A_36, %dma_start3A_37] : memref<10240x128xf32, #tpu.memory_space<vmem_shared>> -> memref<10240x128xf32, #tpu.memory_space<vmem_shared>>
          tpu.enqueue_indirect_dma source(%arg11 : memref<80x128xf32, #tpu.memory_space<vmem>>) target(%dma_start3A_38 : memref<10240x128xf32, #tpu.memory_space<vmem_shared>>) offsets(%dma_start3A_35 : memref<80xi32, #tpu.memory_space<vmem>>) semaphore(%run_scoped3A : memref<!tpu.dma_semaphore, #tpu.memory_space<semaphore_mem>>) {add = true}
          %dma_wait3A_39 = arith.constant 0 : i32
          %dma_wait3A_40 = tpu.memref_slice %arg9[%scan3A_16, %dma_wait3A_39] : memref<25x80xi32, #tpu.memory_space<vmem>> -> memref<1x80xi32, #tpu.memory_space<vmem>>
          %dma_wait3A_41 = tpu.memref_squeeze %dma_wait3A_40 : memref<1x80xi32, #tpu.memory_space<vmem>> -> memref<80xi32, #tpu.memory_space<vmem>>
          %dma_wait3A_42 = arith.constant 0 : i32
          %dma_wait3A_43 = arith.constant 0 : i32
          %dma_wait3A_44 = tpu.memref_slice %arg12[%dma_wait3A_42, %dma_wait3A_43] : memref<10240x128xf32, #tpu.memory_space<vmem_shared>> -> memref<10240x128xf32, #tpu.memory_space<vmem_shared>>
          tpu.wait_indirect_dma semaphore(%run_scoped3A : memref<!tpu.dma_semaphore, #tpu.memory_space<semaphore_mem>>) src(%arg11 : memref<80x128xf32, #tpu.memory_space<vmem>>) dst(%dma_wait3A_44 : memref<10240x128xf32, #tpu.memory_space<vmem_shared>>)
          tpu.yield
        }) : () -> ()
      }
      %scan3A_15 = arith.constant 25 : i32
    }
    %scan3A_7 = arith.constant 5 : i32
    %barrier3A_8 = arith.constant 0 : index
    tpu.barrier barrier_id(%barrier3A_8)
    "tpu.region"() ({
      %run_scoped3A = tpu.sem_alloc : memref<!tpu.dma_semaphore, #tpu.memory_space<semaphore_mem>>
      %dma_start3A = arith.constant 0 : i32
      %dma_start3A_9 = tpu.memref_slice %arg7[%arg0, %multiple_of3A, %dma_start3A] : memref<2x10240x128xf32, #tpu.memory_space<hbm>> -> memref<1x640x128xf32, #tpu.memory_space<hbm>>
      %dma_start3A_10 = tpu.memref_squeeze %dma_start3A_9 : memref<1x640x128xf32, #tpu.memory_space<hbm>> -> memref<640x128xf32, #tpu.memory_space<hbm>>
      %dma_start3A_11 = arith.constant 0 : i32
      %dma_start3A_12 = tpu.memref_slice %arg12[%multiple_of3A, %dma_start3A_11] : memref<10240x128xf32, #tpu.memory_space<vmem_shared>> -> memref<640x128xf32, #tpu.memory_space<vmem_shared>>
      tpu.enqueue_dma source(%dma_start3A_12 : memref<640x128xf32, #tpu.memory_space<vmem_shared>>) target(%dma_start3A_10 : memref<640x128xf32, #tpu.memory_space<hbm>>) target_semaphore(%run_scoped3A : memref<!tpu.dma_semaphore, #tpu.memory_space<semaphore_mem>>)
      %dma_wait3A = arith.constant 0 : i32
      %dma_wait3A_13 = tpu.memref_slice %arg7[%arg0, %multiple_of3A, %dma_wait3A] : memref<2x10240x128xf32, #tpu.memory_space<hbm>> -> memref<1x640x128xf32, #tpu.memory_space<hbm>>
      %dma_wait3A_14 = tpu.memref_squeeze %dma_wait3A_13 : memref<1x640x128xf32, #tpu.memory_space<hbm>> -> memref<640x128xf32, #tpu.memory_space<hbm>>
      %dma_wait3A_15 = arith.constant 0 : i32
      %dma_wait3A_16 = tpu.memref_slice %arg12[%multiple_of3A, %dma_wait3A_15] : memref<10240x128xf32, #tpu.memory_space<vmem_shared>> -> memref<640x128xf32, #tpu.memory_space<vmem_shared>>
      tpu.wait_dma2 semaphore(%run_scoped3A : memref<!tpu.dma_semaphore, #tpu.memory_space<semaphore_mem>>) src(%dma_wait3A_16 : memref<640x128xf32, #tpu.memory_space<vmem_shared>>) dst(%dma_wait3A_14 : memref<640x128xf32, #tpu.memory_space<hbm>>)
      tpu.yield
    }) : () -> ()
    return
  }
}

module attributes {stable_mosaic.version = 14 : i64} {
  func.func @_k1_body(%arg0: memref<10000x128xf32, #tpu.memory_space<vmem>>, %arg1: memref<128x128xf32, #tpu.memory_space<vmem>>, %arg2: memref<128x128xf32, #tpu.memory_space<vmem>>, %arg3: memref<128xf32, #tpu.memory_space<vmem>>, %arg4: memref<10000x128xf32, #tpu.memory_space<vmem>>, %arg5: memref<10000x128xf32, #tpu.memory_space<vmem>>) attributes {dimension_semantics = [], scalar_prefetch = 0 : i64, scratch_operands = 0 : i64, tpu.core_type = #tpu.core_type<tc>} {
    %get3A = arith.constant 0 : index
    %get3A_0 = arith.constant 0 : index
    %get3A_1 = vector.load %arg0[%get3A, %get3A_0] : memref<10000x128xf32, #tpu.memory_space<vmem>>, vector<10000x128xf32>
    %get3A_2 = arith.constant 0 : index
    %get3A_3 = arith.constant 0 : index
    %get3A_4 = vector.load %arg1[%get3A_2, %get3A_3] : memref<128x128xf32, #tpu.memory_space<vmem>>, vector<128x128xf32>
    %dot_general3A = arith.constant dense<0.000000e+00> : vector<10000x128xf32>
    %dot_general3A_5 = tpu.matmul %get3A_1, %get3A_4, %dot_general3A {dimension_numbers = #tpu.dot_dimension_numbers<[1], [1], [0], [0], [0, 0, 1, 0], [], []>, transpose_lhs_hint = false} : vector<10000x128xf32>, vector<128x128xf32>, vector<10000x128xf32> -> vector<10000x128xf32>
    %get3A_6 = arith.constant 0 : index
    %get3A_7 = vector.load %arg3[%get3A_6] : memref<128xf32, #tpu.memory_space<vmem>>, vector<128xf32>
    %broadcast_in_dim3A = vector.shape_cast %get3A_7 : vector<128xf32> to vector<1x128xf32>
    %add3A = vector.broadcast %broadcast_in_dim3A : vector<1x128xf32> to vector<10000x128xf32>
    %add3A_8 = arith.addf %dot_general3A_5, %add3A : vector<10000x128xf32>
    %swap3A = arith.constant 0 : index
    %swap3A_9 = arith.constant 0 : index
    %swap3A_10 = vector.load %arg4[%swap3A, %swap3A_9] : memref<10000x128xf32, #tpu.memory_space<vmem>>, vector<10000x128xf32>
    tpu.vector_store %arg4[%swap3A, %swap3A_9], %add3A_8 {strides = array<i32>} : memref<10000x128xf32, #tpu.memory_space<vmem>>, vector<10000x128xf32>,
    %get3A_11 = arith.constant 0 : index
    %get3A_12 = arith.constant 0 : index
    %get3A_13 = vector.load %arg2[%get3A_11, %get3A_12] : memref<128x128xf32, #tpu.memory_space<vmem>>, vector<128x128xf32>
    %dot_general3A_14 = arith.constant dense<0.000000e+00> : vector<10000x128xf32>
    %dot_general3A_15 = tpu.matmul %get3A_1, %get3A_13, %dot_general3A_14 {dimension_numbers = #tpu.dot_dimension_numbers<[1], [1], [0], [0], [0, 0, 1, 0], [], []>, transpose_lhs_hint = false} : vector<10000x128xf32>, vector<128x128xf32>, vector<10000x128xf32> -> vector<10000x128xf32>
    %swap3A_16 = arith.constant 0 : index
    %swap3A_17 = arith.constant 0 : index
    %swap3A_18 = vector.load %arg5[%swap3A_16, %swap3A_17] : memref<10000x128xf32, #tpu.memory_space<vmem>>, vector<10000x128xf32>
    tpu.vector_store %arg5[%swap3A_16, %swap3A_17], %dot_general3A_15 {strides = array<i32>} : memref<10000x128xf32, #tpu.memory_space<vmem>>, vector<10000x128xf32>,
    return
  }
}

module attributes {stable_mosaic.version = 14 : i64} {
  func.func @_k4_body(%arg0: i32, %arg1: memref<4000x128xf32, #tpu.memory_space<vmem>>, %arg2: memref<4000x16xf32, #tpu.memory_space<vmem>>, %arg3: memref<4000x16xf32, #tpu.memory_space<vmem>>, %arg4: memref<16x128xf32, #tpu.memory_space<vmem>>, %arg5: memref<16x16xf32, #tpu.memory_space<vmem>>, %arg6: memref<16x16xf32, #tpu.memory_space<vmem>>, %arg7: memref<4000x16xf32, #tpu.memory_space<vmem>>, %arg8: memref<2x16xf32, #tpu.memory_space<vmem>>) attributes {dimension_semantics = [#tpu.dimension_semantics<arbitrary>], iteration_bounds = array<i64: 80>, scalar_prefetch = 0 : i64, scratch_operands = 0 : i64, tpu.core_type = #tpu.core_type<tc>, window_params = [{transform_indices = @transform_0, window_bounds = array<i64: 4000, 128>}, {transform_indices = @transform_1, window_bounds = array<i64: 4000, 16>}, {transform_indices = @transform_2, window_bounds = array<i64: 4000, 16>}, {pipeline_mode = #tpu.pipeline_mode<synchronous>, transform_indices = @transform_3, window_bounds = array<i64: 16, 128>}, {pipeline_mode = #tpu.pipeline_mode<synchronous>, transform_indices = @transform_4, window_bounds = array<i64: 16, 16>}, {pipeline_mode = #tpu.pipeline_mode<synchronous>, transform_indices = @transform_5, window_bounds = array<i64: 16, 16>}, {transform_indices = @transform_6, window_bounds = array<i64: 4000, 16>}, {pipeline_mode = #tpu.pipeline_mode<synchronous>, transform_indices = @transform_7, window_bounds = array<i64: 2, 16>}]} {
    %get3A = arith.constant 0 : index
    %get3A_0 = arith.constant 0 : index
    %get3A_1 = vector.load %arg1[%get3A, %get3A_0] : memref<4000x128xf32, #tpu.memory_space<vmem>>, vector<4000x128xf32>
    %get3A_2 = arith.constant 0 : index
    %get3A_3 = arith.constant 0 : index
    %get3A_4 = vector.load %arg4[%get3A_2, %get3A_3] : memref<16x128xf32, #tpu.memory_space<vmem>>, vector<16x128xf32>
    %dot_general3A = arith.constant dense<0.000000e+00> : vector<4000x16xf32>
    %dot_general3A_5 = tpu.matmul %get3A_1, %get3A_4, %dot_general3A {dimension_numbers = #tpu.dot_dimension_numbers<[1], [1], [0], [0], [0, 0, 1, 0], [], []>, transpose_lhs_hint = false} : vector<4000x128xf32>, vector<16x128xf32>, vector<4000x16xf32> -> vector<4000x16xf32>
    %get3A_6 = arith.constant 0 : index
    %get3A_7 = arith.constant 0 : index
    %get3A_8 = vector.load %arg2[%get3A_6, %get3A_7] : memref<4000x16xf32, #tpu.memory_space<vmem>>, vector<4000x16xf32>
    %get3A_9 = arith.constant 0 : index
    %get3A_10 = arith.constant 0 : index
    %get3A_11 = vector.load %arg5[%get3A_9, %get3A_10] : memref<16x16xf32, #tpu.memory_space<vmem>>, vector<16x16xf32>
    %dot_general3A_12 = arith.constant dense<0.000000e+00> : vector<4000x16xf32>
    %dot_general3A_13 = tpu.matmul %get3A_8, %get3A_11, %dot_general3A_12 {dimension_numbers = #tpu.dot_dimension_numbers<[1], [1], [0], [0], [0, 0, 1, 0], [], []>, transpose_lhs_hint = false} : vector<4000x16xf32>, vector<16x16xf32>, vector<4000x16xf32> -> vector<4000x16xf32>
    %add3A = arith.addf %dot_general3A_5, %dot_general3A_13 : vector<4000x16xf32>
    %get3A_14 = arith.constant 0 : index
    %get3A_15 = arith.constant 0 : index
    %get3A_16 = vector.load %arg3[%get3A_14, %get3A_15] : memref<4000x16xf32, #tpu.memory_space<vmem>>, vector<4000x16xf32>
    %get3A_17 = arith.constant 0 : index
    %get3A_18 = arith.constant 0 : index
    %get3A_19 = vector.load %arg6[%get3A_17, %get3A_18] : memref<16x16xf32, #tpu.memory_space<vmem>>, vector<16x16xf32>
    %dot_general3A_20 = arith.constant dense<0.000000e+00> : vector<4000x16xf32>
    %dot_general3A_21 = tpu.matmul %get3A_16, %get3A_19, %dot_general3A_20 {dimension_numbers = #tpu.dot_dimension_numbers<[1], [1], [0], [0], [0, 0, 1, 0], [], []>, transpose_lhs_hint = false} : vector<4000x16xf32>, vector<16x16xf32>, vector<4000x16xf32> -> vector<4000x16xf32>
    %add3A_22 = arith.addf %add3A, %dot_general3A_21 : vector<4000x16xf32>
    %swap3A = arith.constant 0 : index
    %swap3A_23 = arith.constant 0 : index
    %swap3A_24 = vector.load %arg7[%swap3A, %swap3A_23] : memref<4000x16xf32, #tpu.memory_space<vmem>>, vector<4000x16xf32>
    tpu.vector_store %arg7[%swap3A, %swap3A_23], %add3A_22 {strides = array<i32>} : memref<4000x16xf32, #tpu.memory_space<vmem>>, vector<4000x16xf32>,
    %eq3A = arith.constant 0 : i32
    %eq3A_25 = arith.cmpi eq, %arg0, %eq3A : i32
    %convert_element_type3A = arith.extui %eq3A_25 : i1 to i32
    %cond3A = arith.constant 0 : i32
    %cond3A_26 = arith.cmpi ne, %convert_element_type3A, %cond3A : i32
    scf.if %cond3A_26 {
      %broadcast_in_dim3A = arith.constant 0.000000e+00 : f32
      %broadcast_in_dim3A_50 = vector.broadcast %broadcast_in_dim3A : f32 to vector<2x16xf32>
      %swap3A_51 = arith.constant 0 : index
      %swap3A_52 = arith.constant 0 : index
      %swap3A_53 = vector.load %arg8[%swap3A_51, %swap3A_52] : memref<2x16xf32, #tpu.memory_space<vmem>>, vector<2x16xf32>
      tpu.vector_store %arg8[%swap3A_51, %swap3A_52], %broadcast_in_dim3A_50 {strides = array<i32>} : memref<2x16xf32, #tpu.memory_space<vmem>>, vector<2x16xf32>,
    } else {
    }
    %get3A_27 = arith.constant 0 : index
    %get3A_28 = arith.constant 0 : index
    %get3A_29 = vector.load %arg8[%get3A_27, %get3A_28] : memref<2x16xf32, #tpu.memory_space<vmem>>, vector<1x16xf32>
    %get3A_30 = vector.shape_cast %get3A_29 : vector<1x16xf32> to vector<16xf32>
    %reduce_sum3A = arith.constant dense<0.000000e+00> : vector<16xf32>
    %reduce_sum3A_31 = vector.multi_reduction <add>, %add3A_22, %reduce_sum3A [0] : vector<4000x16xf32> to vector<16xf32>
    %add3A_32 = arith.addf %get3A_30, %reduce_sum3A_31 : vector<16xf32>
    %swap3A_33 = arith.constant 0 : index
    %swap3A_34 = arith.constant 0 : index
    %swap3A_35 = vector.load %arg8[%swap3A_33, %swap3A_34] : memref<2x16xf32, #tpu.memory_space<vmem>>, vector<1x16xf32>
    %swap3A_36 = vector.shape_cast %swap3A_35 : vector<1x16xf32> to vector<16xf32>
    %swap3A_37 = vector.shape_cast %add3A_32 : vector<16xf32> to vector<1x16xf32>
    tpu.vector_store %arg8[%swap3A_33, %swap3A_34], %swap3A_37 {strides = array<i32>} : memref<2x16xf32, #tpu.memory_space<vmem>>, vector<1x16xf32>,
    %get3A_38 = arith.constant 1 : index
    %get3A_39 = arith.constant 0 : index
    %get3A_40 = vector.load %arg8[%get3A_38, %get3A_39] : memref<2x16xf32, #tpu.memory_space<vmem>>, vector<1x16xf32>
    %get3A_41 = vector.shape_cast %get3A_40 : vector<1x16xf32> to vector<16xf32>
    %mul3A = arith.mulf %add3A_22, %add3A_22 : vector<4000x16xf32>
    %reduce_sum3A_42 = arith.constant dense<0.000000e+00> : vector<16xf32>
    %reduce_sum3A_43 = vector.multi_reduction <add>, %mul3A, %reduce_sum3A_42 [0] : vector<4000x16xf32> to vector<16xf32>
    %add3A_44 = arith.addf %get3A_41, %reduce_sum3A_43 : vector<16xf32>
    %swap3A_45 = arith.constant 1 : index
    %swap3A_46 = arith.constant 0 : index
    %swap3A_47 = vector.load %arg8[%swap3A_45, %swap3A_46] : memref<2x16xf32, #tpu.memory_space<vmem>>, vector<1x16xf32>
    %swap3A_48 = vector.shape_cast %swap3A_47 : vector<1x16xf32> to vector<16xf32>
    %swap3A_49 = vector.shape_cast %add3A_44 : vector<16xf32> to vector<1x16xf32>
    tpu.vector_store %arg8[%swap3A_45, %swap3A_46], %swap3A_49 {strides = array<i32>} : memref<2x16xf32, #tpu.memory_space<vmem>>, vector<1x16xf32>,
    return
  }
  func.func @transform_0(%arg0: i32) -> (i32, i32) {
    %c0_i32 = arith.constant 0 : i32
    %c0_i32_0 = arith.constant 0 : i32
    return %arg0, %c0_i32 : i32, i32
  }
  func.func @transform_1(%arg0: i32) -> (i32, i32) {
    %c0_i32 = arith.constant 0 : i32
    %c0_i32_0 = arith.constant 0 : i32
    return %arg0, %c0_i32 : i32, i32
  }
  func.func @transform_2(%arg0: i32) -> (i32, i32) {
    %c0_i32 = arith.constant 0 : i32
    %c0_i32_0 = arith.constant 0 : i32
    return %arg0, %c0_i32 : i32, i32
  }
  func.func @transform_3(%arg0: i32) -> (i32, i32) {
    %c0_i32 = arith.constant 0 : i32
    %c0_i32_0 = arith.constant 0 : i32
    %c0_i32_1 = arith.constant 0 : i32
    return %c0_i32, %c0_i32_0 : i32, i32
  }
  func.func @transform_4(%arg0: i32) -> (i32, i32) {
    %c0_i32 = arith.constant 0 : i32
    %c0_i32_0 = arith.constant 0 : i32
    %c0_i32_1 = arith.constant 0 : i32
    return %c0_i32, %c0_i32_0 : i32, i32
  }
  func.func @transform_5(%arg0: i32) -> (i32, i32) {
    %c0_i32 = arith.constant 0 : i32
    %c0_i32_0 = arith.constant 0 : i32
    %c0_i32_1 = arith.constant 0 : i32
    return %c0_i32, %c0_i32_0 : i32, i32
  }
  func.func @transform_6(%arg0: i32) -> (i32, i32) {
    %c0_i32 = arith.constant 0 : i32
    %c0_i32_0 = arith.constant 0 : i32
    return %arg0, %c0_i32 : i32, i32
  }
  func.func @transform_7(%arg0: i32) -> (i32, i32) {
    %c0_i32 = arith.constant 0 : i32
    %c0_i32_0 = arith.constant 0 : i32
    %c0_i32_1 = arith.constant 0 : i32
    return %c0_i32, %c0_i32_0 : i32, i32
  }
}

module attributes {stable_mosaic.version = 14 : i64} {
  func.func @_k5_body(%arg0: i32, %arg1: memref<2000x128xf32, #tpu.memory_space<vmem>>, %arg2: memref<2x16xf32, #tpu.memory_space<vmem>>, %arg3: memref<16xf32, #tpu.memory_space<vmem>>, %arg4: memref<16xf32, #tpu.memory_space<vmem>>, %arg5: memref<1x16xf32, #tpu.memory_space<vmem>>, %arg6: memref<1xf32, #tpu.memory_space<vmem>>, %arg7: memref<2000x128xf32, #tpu.memory_space<vmem>>, %arg8: memref<128x8xf32, #tpu.memory_space<vmem>>, %arg9: memref<2000x128xf32, #tpu.memory_space<vmem>>, %arg10: memref<2000x8xf32, #tpu.memory_space<vmem>>) attributes {dimension_semantics = [#tpu.dimension_semantics<arbitrary>], iteration_bounds = array<i64: 20>, scalar_prefetch = 0 : i64, scratch_operands = 0 : i64, tpu.core_type = #tpu.core_type<tc>, window_params = [{transform_indices = @transform_0, window_bounds = array<i64: 2000, 128>}, {pipeline_mode = #tpu.pipeline_mode<synchronous>, transform_indices = @transform_1, window_bounds = array<i64: 2, 16>}, {pipeline_mode = #tpu.pipeline_mode<synchronous>, transform_indices = @transform_2, window_bounds = array<i64: 16>}, {pipeline_mode = #tpu.pipeline_mode<synchronous>, transform_indices = @transform_3, window_bounds = array<i64: 16>}, {pipeline_mode = #tpu.pipeline_mode<synchronous>, transform_indices = @transform_4, window_bounds = array<i64: 1, 16>}, {pipeline_mode = #tpu.pipeline_mode<synchronous>, transform_indices = @transform_5, window_bounds = array<i64: 1>}, {transform_indices = @transform_6, window_bounds = array<i64: 2000, 128>}, {pipeline_mode = #tpu.pipeline_mode<synchronous>, transform_indices = @transform_7, window_bounds = array<i64: 128, 8>}, {transform_indices = @transform_8, window_bounds = array<i64: 2000, 128>}, {transform_indices = @transform_9, window_bounds = array<i64: 2000, 8>}]} {
    %get3A = arith.constant 0 : index
    %get3A_0 = arith.constant 0 : index
    %get3A_1 = vector.load %arg2[%get3A, %get3A_0] : memref<2x16xf32, #tpu.memory_space<vmem>>, vector<1x16xf32>
    %get3A_2 = vector.shape_cast %get3A_1 : vector<1x16xf32> to vector<16xf32>
    %div3A = arith.constant 3.200000e+05 : f32
    %div3A_3 = vector.broadcast %div3A : f32 to vector<16xf32>
    %div3A_4 = arith.divf %get3A_2, %div3A_3 : vector<16xf32>
    %get3A_5 = arith.constant 1 : index
    %get3A_6 = arith.constant 0 : index
    %get3A_7 = vector.load %arg2[%get3A_5, %get3A_6] : memref<2x16xf32, #tpu.memory_space<vmem>>, vector<1x16xf32>
    %get3A_8 = vector.shape_cast %get3A_7 : vector<1x16xf32> to vector<16xf32>
    %div3A_9 = arith.constant 3.200000e+05 : f32
    %div3A_10 = vector.broadcast %div3A_9 : f32 to vector<16xf32>
    %div3A_11 = arith.divf %get3A_8, %div3A_10 : vector<16xf32>
    %mul3A = arith.mulf %div3A_4, %div3A_4 : vector<16xf32>
    %sub3A = arith.subf %div3A_11, %mul3A : vector<16xf32>
    %add3A = arith.constant 9.99999974E-6 : f32
    %add3A_12 = vector.broadcast %add3A : f32 to vector<16xf32>
    %add3A_13 = arith.addf %sub3A, %add3A_12 : vector<16xf32>
    %rsqrt3A = math.rsqrt %add3A_13 : vector<16xf32>
    %get3A_14 = arith.constant 0 : index
    %get3A_15 = vector.load %arg3[%get3A_14] : memref<16xf32, #tpu.memory_space<vmem>>, vector<16xf32>
    %mul3A_16 = arith.mulf %rsqrt3A, %get3A_15 : vector<16xf32>
    %get3A_17 = arith.constant 0 : index
    %get3A_18 = vector.load %arg4[%get3A_17] : memref<16xf32, #tpu.memory_space<vmem>>, vector<16xf32>
    %mul3A_19 = arith.mulf %div3A_4, %mul3A_16 : vector<16xf32>
    %sub3A_20 = arith.subf %get3A_18, %mul3A_19 : vector<16xf32>
    %tile3A = tpu.concatenate %mul3A_16, %mul3A_16, %mul3A_16, %mul3A_16, %mul3A_16, %mul3A_16, %mul3A_16, %mul3A_16 in 0 : vector<16xf32>, vector<16xf32>, vector<16xf32>, vector<16xf32>, vector<16xf32>, vector<16xf32>, vector<16xf32>, vector<16xf32> -> vector<128xf32>
    %tile3A_21 = tpu.concatenate %sub3A_20, %sub3A_20, %sub3A_20, %sub3A_20, %sub3A_20, %sub3A_20, %sub3A_20, %sub3A_20 in 0 : vector<16xf32>, vector<16xf32>, vector<16xf32>, vector<16xf32>, vector<16xf32>, vector<16xf32>, vector<16xf32>, vector<16xf32> -> vector<128xf32>
    %get3A_22 = arith.constant 0 : index
    %get3A_23 = arith.constant 0 : index
    %get3A_24 = vector.load %arg1[%get3A_22, %get3A_23] : memref<2000x128xf32, #tpu.memory_space<vmem>>, vector<2000x128xf32>
    %broadcast_in_dim3A = vector.shape_cast %tile3A : vector<128xf32> to vector<1x128xf32>
    %mul3A_25 = vector.broadcast %broadcast_in_dim3A : vector<1x128xf32> to vector<2000x128xf32>
    %mul3A_26 = arith.mulf %get3A_24, %mul3A_25 : vector<2000x128xf32>
    %broadcast_in_dim3A_27 = vector.shape_cast %tile3A_21 : vector<128xf32> to vector<1x128xf32>
    %add3A_28 = vector.broadcast %broadcast_in_dim3A_27 : vector<1x128xf32> to vector<2000x128xf32>
    %add3A_29 = arith.addf %mul3A_26, %add3A_28 : vector<2000x128xf32>
    %max3A = arith.constant 0.000000e+00 : f32
    %max3A_30 = vector.broadcast %max3A : f32 to vector<2000x128xf32>
    %max3A_31 = arith.maximumf %add3A_29, %max3A_30 : vector<2000x128xf32>
    %get3A_32 = arith.constant 0 : index
    %get3A_33 = arith.constant 0 : index
    %get3A_34 = vector.load %arg7[%get3A_32, %get3A_33] : memref<2000x128xf32, #tpu.memory_space<vmem>>, vector<2000x128xf32>
    %add3A_35 = arith.addf %max3A_31, %get3A_34 : vector<2000x128xf32>
    %swap3A = arith.constant 0 : index
    %swap3A_36 = arith.constant 0 : index
    %swap3A_37 = vector.load %arg9[%swap3A, %swap3A_36] : memref<2000x128xf32, #tpu.memory_space<vmem>>, vector<2000x128xf32>
    tpu.vector_store %arg9[%swap3A, %swap3A_36], %add3A_35 {strides = array<i32>} : memref<2000x128xf32, #tpu.memory_space<vmem>>, vector<2000x128xf32>,
    %get3A_38 = arith.constant 0 : index
    %get3A_39 = arith.constant 0 : index
    %get3A_40 = vector.load %arg5[%get3A_38, %get3A_39] : memref<1x16xf32, #tpu.memory_space<vmem>>, vector<1x16xf32>
    %get3A_41 = vector.shape_cast %get3A_40 : vector<1x16xf32> to vector<16xf32>
    %tile3A_42 = tpu.concatenate %get3A_41, %get3A_41, %get3A_41, %get3A_41, %get3A_41, %get3A_41, %get3A_41, %get3A_41 in 0 : vector<16xf32>, vector<16xf32>, vector<16xf32>, vector<16xf32>, vector<16xf32>, vector<16xf32>, vector<16xf32>, vector<16xf32> -> vector<128xf32>
    %broadcast_in_dim3A_43 = vector.shape_cast %tile3A_42 : vector<128xf32> to vector<1x128xf32>
    %mul3A_44 = vector.broadcast %broadcast_in_dim3A_43 : vector<1x128xf32> to vector<2000x128xf32>
    %mul3A_45 = arith.mulf %max3A_31, %mul3A_44 : vector<2000x128xf32>
    %get3A_46 = arith.constant 0 : index
    %get3A_47 = arith.constant 0 : index
    %get3A_48 = vector.load %arg8[%get3A_46, %get3A_47] : memref<128x8xf32, #tpu.memory_space<vmem>>, vector<128x8xf32>
    %dot_general3A = arith.constant dense<0.000000e+00> : vector<2000x8xf32>
    %dot_general3A_49 = tpu.matmul %mul3A_45, %get3A_48, %dot_general3A {dimension_numbers = #tpu.dot_dimension_numbers<[1], [0], [0], [1], [0, 0, 1, 1], [], []>, transpose_lhs_hint = false} : vector<2000x128xf32>, vector<128x8xf32>, vector<2000x8xf32> -> vector<2000x8xf32>
    %get3A_50 = arith.constant 0 : index
    %get3A_51 = vector.load %arg6[%get3A_50] : memref<1xf32, #tpu.memory_space<vmem>>, vector<1xf32>
    %get3A_52 = vector.extract %get3A_51[0] : f32 from vector<1xf32>
    %add3A_53 = vector.broadcast %get3A_52 : f32 to vector<2000x8xf32>
    %add3A_54 = arith.addf %dot_general3A_49, %add3A_53 : vector<2000x8xf32>
    %max3A_55 = arith.constant 0.000000e+00 : f32
    %max3A_56 = vector.broadcast %max3A_55 : f32 to vector<2000x8xf32>
    %max3A_57 = arith.maximumf %add3A_54, %max3A_56 : vector<2000x8xf32>
    %swap3A_58 = arith.constant 0 : index
    %swap3A_59 = arith.constant 0 : index
    %swap3A_60 = vector.load %arg10[%swap3A_58, %swap3A_59] : memref<2000x8xf32, #tpu.memory_space<vmem>>, vector<2000x8xf32>
    tpu.vector_store %arg10[%swap3A_58, %swap3A_59], %max3A_57 {strides = array<i32>} : memref<2000x8xf32, #tpu.memory_space<vmem>>, vector<2000x8xf32>,
    return
  }
  func.func @transform_0(%arg0: i32) -> (i32, i32) {
    %c0_i32 = arith.constant 0 : i32
    %c0_i32_0 = arith.constant 0 : i32
    return %arg0, %c0_i32 : i32, i32
  }
  func.func @transform_1(%arg0: i32) -> (i32, i32) {
    %c0_i32 = arith.constant 0 : i32
    %c0_i32_0 = arith.constant 0 : i32
    %c0_i32_1 = arith.constant 0 : i32
    return %c0_i32, %c0_i32_0 : i32, i32
  }
  func.func @transform_2(%arg0: i32) -> i32 {
    %c0_i32 = arith.constant 0 : i32
    %c0_i32_0 = arith.constant 0 : i32
    return %c0_i32 : i32
  }
  func.func @transform_3(%arg0: i32) -> i32 {
    %c0_i32 = arith.constant 0 : i32
    %c0_i32_0 = arith.constant 0 : i32
    return %c0_i32 : i32
  }
  func.func @transform_4(%arg0: i32) -> (i32, i32) {
    %c0_i32 = arith.constant 0 : i32
    %c0_i32_0 = arith.constant 0 : i32
    %c0_i32_1 = arith.constant 0 : i32
    return %c0_i32, %c0_i32_0 : i32, i32
  }
  func.func @transform_5(%arg0: i32) -> i32 {
    %c0_i32 = arith.constant 0 : i32
    %c0_i32_0 = arith.constant 0 : i32
    return %c0_i32 : i32
  }
  func.func @transform_6(%arg0: i32) -> (i32, i32) {
    %c0_i32 = arith.constant 0 : i32
    %c0_i32_0 = arith.constant 0 : i32
    return %arg0, %c0_i32 : i32, i32
  }
  func.func @transform_7(%arg0: i32) -> (i32, i32) {
    %c0_i32 = arith.constant 0 : i32
    %c0_i32_0 = arith.constant 0 : i32
    %c0_i32_1 = arith.constant 0 : i32
    return %c0_i32, %c0_i32_0 : i32, i32
  }
  func.func @transform_8(%arg0: i32) -> (i32, i32) {
    %c0_i32 = arith.constant 0 : i32
    %c0_i32_0 = arith.constant 0 : i32
    return %arg0, %c0_i32 : i32, i32
  }
  func.func @transform_9(%arg0: i32) -> (i32, i32) {
    %c0_i32 = arith.constant 0 : i32
    %c0_i32_0 = arith.constant 0 : i32
    return %arg0, %c0_i32 : i32, i32
  }
}

module attributes {stable_mosaic.version = 14 : i64} {
  func.func @_k7_body(%arg0: memref<2x80x128xf32, #tpu.memory_space<vmem>>, %arg1: memref<80x128xf32, #tpu.memory_space<vmem>>) attributes {dimension_semantics = [], scalar_prefetch = 0 : i64, scratch_operands = 0 : i64, tpu.core_type = #tpu.core_type<tc>} {
    %get3A = arith.constant 0 : index
    %get3A_0 = arith.constant 0 : index
    %get3A_1 = arith.constant 0 : index
    %get3A_2 = vector.load %arg0[%get3A, %get3A_0, %get3A_1] : memref<2x80x128xf32, #tpu.memory_space<vmem>>, vector<1x80x128xf32>
    %get3A_3 = vector.shape_cast %get3A_2 : vector<1x80x128xf32> to vector<80x128xf32>
    %get3A_4 = arith.constant 1 : index
    %get3A_5 = arith.constant 0 : index
    %get3A_6 = arith.constant 0 : index
    %get3A_7 = vector.load %arg0[%get3A_4, %get3A_5, %get3A_6] : memref<2x80x128xf32, #tpu.memory_space<vmem>>, vector<1x80x128xf32>
    %get3A_8 = vector.shape_cast %get3A_7 : vector<1x80x128xf32> to vector<80x128xf32>
    %add3A = arith.addf %get3A_3, %get3A_8 : vector<80x128xf32>
    %add3A_9 = arith.constant 1.000000e+00 : f32
    %add3A_10 = vector.broadcast %add3A_9 : f32 to vector<80x128xf32>
    %add3A_11 = arith.addf %add3A, %add3A_10 : vector<80x128xf32>
    %rsqrt3A = math.rsqrt %add3A_11 : vector<80x128xf32>
    %swap3A = arith.constant 0 : index
    %swap3A_12 = arith.constant 0 : index
    %swap3A_13 = vector.load %arg1[%swap3A, %swap3A_12] : memref<80x128xf32, #tpu.memory_space<vmem>>, vector<80x128xf32>
    tpu.vector_store %arg1[%swap3A, %swap3A_12], %rsqrt3A {strides = array<i32>} : memref<80x128xf32, #tpu.memory_space<vmem>>, vector<80x128xf32>,
    return
  }
}

module attributes {stable_mosaic.version = 14 : i64} {
  func.func @_k7b_body(%arg0: memref<10000x1xf32, #tpu.memory_space<vmem>>, %arg1: memref<10000x128xf32, #tpu.memory_space<vmem>>, %arg2: memref<10000x128xf32, #tpu.memory_space<vmem>>, %arg3: memref<10000x128xf32, #tpu.memory_space<vmem>>) attributes {dimension_semantics = [], scalar_prefetch = 0 : i64, scratch_operands = 0 : i64, tpu.core_type = #tpu.core_type<tc>} {
    %get3A = arith.constant 0 : index
    %get3A_0 = arith.constant 0 : index
    %get3A_1 = vector.load %arg0[%get3A, %get3A_0] : memref<10000x1xf32, #tpu.memory_space<vmem>>, vector<10000x1xf32>
    %get3A_2 = arith.constant 0 : index
    %get3A_3 = arith.constant 0 : index
    %get3A_4 = vector.load %arg1[%get3A_2, %get3A_3] : memref<10000x128xf32, #tpu.memory_space<vmem>>, vector<10000x128xf32>
    %mul3A = vector.broadcast %get3A_1 : vector<10000x1xf32> to vector<10000x128xf32>
    %mul3A_5 = arith.mulf %mul3A, %get3A_4 : vector<10000x128xf32>
    %swap3A = arith.constant 0 : index
    %swap3A_6 = arith.constant 0 : index
    %swap3A_7 = vector.load %arg2[%swap3A, %swap3A_6] : memref<10000x128xf32, #tpu.memory_space<vmem>>, vector<10000x128xf32>
    tpu.vector_store %arg2[%swap3A, %swap3A_6], %mul3A_5 {strides = array<i32>} : memref<10000x128xf32, #tpu.memory_space<vmem>>, vector<10000x128xf32>,
    %get3A_8 = arith.constant 0 : index
    %get3A_9 = arith.constant 0 : index
    %get3A_10 = vector.load %arg0[%get3A_8, %get3A_9] : memref<10000x1xf32, #tpu.memory_space<vmem>>, vector<10000x1xf32>
    %mul3A_11 = vector.broadcast %get3A_10 : vector<10000x1xf32> to vector<10000x128xf32>
    %mul3A_12 = arith.mulf %mul3A_11, %mul3A_5 : vector<10000x128xf32>
    %swap3A_13 = arith.constant 0 : index
    %swap3A_14 = arith.constant 0 : index
    %swap3A_15 = vector.load %arg3[%swap3A_13, %swap3A_14] : memref<10000x128xf32, #tpu.memory_space<vmem>>, vector<10000x128xf32>
    tpu.vector_store %arg3[%swap3A_13, %swap3A_14], %mul3A_12 {strides = array<i32>} : memref<10000x128xf32, #tpu.memory_space<vmem>>, vector<10000x128xf32>,
    return
  }
}

module attributes {stable_mosaic.version = 14 : i64} {
  func.func @_k9_body(%arg0: memref<2x10240x128xf32, #tpu.memory_space<vmem>>, %arg1: memref<10000x1xf32, #tpu.memory_space<vmem>>, %arg2: memref<10000x128xf32, #tpu.memory_space<vmem>>, %arg3: memref<10000x128xf32, #tpu.memory_space<vmem>>, %arg4: memref<128xf32, #tpu.memory_space<vmem>>, %arg5: memref<128xf32, #tpu.memory_space<vmem>>, %arg6: memref<10000x128xf32, #tpu.memory_space<vmem>>) attributes {dimension_semantics = [], scalar_prefetch = 0 : i64, scratch_operands = 0 : i64, tpu.core_type = #tpu.core_type<tc>} {
    %get3A = arith.constant 0 : index
    %get3A_0 = arith.constant 0 : index
    %get3A_1 = vector.load %arg1[%get3A, %get3A_0] : memref<10000x1xf32, #tpu.memory_space<vmem>>, vector<10000x1xf32>
    %get3A_2 = arith.constant 0 : index
    %get3A_3 = arith.constant 0 : index
    %get3A_4 = arith.constant 0 : index
    %get3A_5 = vector.load %arg0[%get3A_2, %get3A_3, %get3A_4] : memref<2x10240x128xf32, #tpu.memory_space<vmem>>, vector<1x10000x128xf32>
    %get3A_6 = vector.shape_cast %get3A_5 : vector<1x10000x128xf32> to vector<10000x128xf32>
    %get3A_7 = arith.constant 1 : index
    %get3A_8 = arith.constant 0 : index
    %get3A_9 = arith.constant 0 : index
    %get3A_10 = vector.load %arg0[%get3A_7, %get3A_8, %get3A_9] : memref<2x10240x128xf32, #tpu.memory_space<vmem>>, vector<1x10000x128xf32>
    %get3A_11 = vector.shape_cast %get3A_10 : vector<1x10000x128xf32> to vector<10000x128xf32>
    %add3A = arith.addf %get3A_6, %get3A_11 : vector<10000x128xf32>
    %mul3A = vector.broadcast %get3A_1 : vector<10000x1xf32> to vector<10000x128xf32>
    %mul3A_12 = arith.mulf %mul3A, %add3A : vector<10000x128xf32>
    %get3A_13 = arith.constant 0 : index
    %get3A_14 = arith.constant 0 : index
    %get3A_15 = vector.load %arg2[%get3A_13, %get3A_14] : memref<10000x128xf32, #tpu.memory_space<vmem>>, vector<10000x128xf32>
    %add3A_16 = arith.addf %mul3A_12, %get3A_15 : vector<10000x128xf32>
    %reduce_sum3A = arith.constant dense<0.000000e+00> : vector<128xf32>
    %reduce_sum3A_17 = vector.multi_reduction <add>, %add3A_16, %reduce_sum3A [0] : vector<10000x128xf32> to vector<128xf32>
    %div3A = arith.constant 1.000000e+04 : f32
    %div3A_18 = vector.broadcast %div3A : f32 to vector<128xf32>
    %div3A_19 = arith.divf %reduce_sum3A_17, %div3A_18 : vector<128xf32>
    %broadcast_in_dim3A = vector.shape_cast %div3A_19 : vector<128xf32> to vector<1x128xf32>
    %sub3A = vector.broadcast %broadcast_in_dim3A : vector<1x128xf32> to vector<10000x128xf32>
    %sub3A_20 = arith.subf %add3A_16, %sub3A : vector<10000x128xf32>
    %integer_pow3A = arith.mulf %sub3A_20, %sub3A_20 : vector<10000x128xf32>
    %reduce_sum3A_21 = arith.constant dense<0.000000e+00> : vector<128xf32>
    %reduce_sum3A_22 = vector.multi_reduction <add>, %integer_pow3A, %reduce_sum3A_21 [0] : vector<10000x128xf32> to vector<128xf32>
    %div3A_23 = arith.constant 1.000000e+04 : f32
    %div3A_24 = vector.broadcast %div3A_23 : f32 to vector<128xf32>
    %div3A_25 = arith.divf %reduce_sum3A_22, %div3A_24 : vector<128xf32>
    %broadcast_in_dim3A_26 = vector.shape_cast %div3A_19 : vector<128xf32> to vector<1x128xf32>
    %sub3A_27 = vector.broadcast %broadcast_in_dim3A_26 : vector<1x128xf32> to vector<10000x128xf32>
    %sub3A_28 = arith.subf %add3A_16, %sub3A_27 : vector<10000x128xf32>
    %add3A_29 = arith.constant 9.99999974E-6 : f32
    %add3A_30 = vector.broadcast %add3A_29 : f32 to vector<128xf32>
    %add3A_31 = arith.addf %div3A_25, %add3A_30 : vector<128xf32>
    %rsqrt3A = math.rsqrt %add3A_31 : vector<128xf32>
    %broadcast_in_dim3A_32 = vector.shape_cast %rsqrt3A : vector<128xf32> to vector<1x128xf32>
    %mul3A_33 = vector.broadcast %broadcast_in_dim3A_32 : vector<1x128xf32> to vector<10000x128xf32>
    %mul3A_34 = arith.mulf %sub3A_28, %mul3A_33 : vector<10000x128xf32>
    %get3A_35 = arith.constant 0 : index
    %get3A_36 = vector.load %arg4[%get3A_35] : memref<128xf32, #tpu.memory_space<vmem>>, vector<128xf32>
    %broadcast_in_dim3A_37 = vector.shape_cast %get3A_36 : vector<128xf32> to vector<1x128xf32>
    %mul3A_38 = vector.broadcast %broadcast_in_dim3A_37 : vector<1x128xf32> to vector<10000x128xf32>
    %mul3A_39 = arith.mulf %mul3A_34, %mul3A_38 : vector<10000x128xf32>
    %get3A_40 = arith.constant 0 : index
    %get3A_41 = vector.load %arg5[%get3A_40] : memref<128xf32, #tpu.memory_space<vmem>>, vector<128xf32>
    %broadcast_in_dim3A_42 = vector.shape_cast %get3A_41 : vector<128xf32> to vector<1x128xf32>
    %add3A_43 = vector.broadcast %broadcast_in_dim3A_42 : vector<1x128xf32> to vector<10000x128xf32>
    %add3A_44 = arith.addf %mul3A_39, %add3A_43 : vector<10000x128xf32>
    %max3A = arith.constant 0.000000e+00 : f32
    %max3A_45 = vector.broadcast %max3A : f32 to vector<10000x128xf32>
    %max3A_46 = arith.maximumf %add3A_44, %max3A_45 : vector<10000x128xf32>
    %get3A_47 = arith.constant 0 : index
    %get3A_48 = arith.constant 0 : index
    %get3A_49 = vector.load %arg3[%get3A_47, %get3A_48] : memref<10000x128xf32, #tpu.memory_space<vmem>>, vector<10000x128xf32>
    %add3A_50 = arith.addf %max3A_46, %get3A_49 : vector<10000x128xf32>
    %swap3A = arith.constant 0 : index
    %swap3A_51 = arith.constant 0 : index
    %swap3A_52 = vector.load %arg6[%swap3A, %swap3A_51] : memref<10000x128xf32, #tpu.memory_space<vmem>>, vector<10000x128xf32>
    tpu.vector_store %arg6[%swap3A, %swap3A_51], %add3A_50 {strides = array<i32>} : memref<10000x128xf32, #tpu.memory_space<vmem>>, vector<10000x128xf32>,
    return
  }
}

</mosaic_0001>

<sc_bundles>
// kernel: kernel.11.cloned.1.call-start
scs
__scs_entry_jumppad:
0x0: {  	(pc) =	sbr.rel $0x88, $3  }
0x1: {  	(tag) =	ssettag $0x0;
	lr =	simm.s32 $0x1  }
0x2: {  	[smem:$0x3F93] =	sst lr;
	_ =	strace $0xD0000000  }
0x3: {  	_ = 	snop  }
0x4: {  	_ = 	snop  }
0x5: {  	_ = 	snop  }
0x6: {  	_ = 	snop  }
0x7: {  	_ = 	snop  }
__scs_overlays_trampoline_lowered:
0x8: {  	[smem:$0x3FA2] =	sst s0  }
0x9: {  	[smem:$0x3FA3] =	sst s1  }
0xa: {  	[smem:$0x3FA4] =	sst s2  }
0xb: {  	[smem:$0x3FA5] =	sst s3  }
0xc: {  	[smem:$0x3FA6] =	sst s4  }
0xd: {  	[smem:$0x3FA7] =	sst s5  }
0xe: {  	[smem:$0x3FA8] =	sst s6  }
0xf: {  	[smem:$0x3FA9] =	sst s7  }
0x10: {  	[smem:$0x3FAA] =	sst s8  }
0x11: {  	[smem:$0x3FAB] =	sst s9;
	s0 =	simm.s32 @!p0 $0x0  }
0x12: {  	s1 =	sld [smem:$0x3F91];
	s0 =	simm.s32 @p0 $0x1  }
0x13: {  	[smem:$0x3FAC] =	sst s0;
	s0 =	simm.s32 @!p1 $0x0  }
0x14: {  	s2 =	sld [smem:$0x3F90];
	s0 =	simm.s32 @p1 $0x1  }
0x15: {  	[smem:$0x3FAD] =	sst s0;
	s0 =	simm.s32 @!p2 $0x0  }
0x16: {  	s3 =	sld [smem:$0x3FDB];
	s0 =	simm.s32 @p2 $0x1  }
0x17: {  	s4 =	simm.s32 $0x1BF5;
	[smem:$0x3FAF] =	sst s0  }
0x18: {  	s0 =	sld [smem:$0x3F92];
	_ =	swait.ge [sflag:s4], $0x0  }
0x19: {  	s7 =	sld [smem:$0x3F93]  }
0x1a: {  	s8 =	sadd.s32 $0xFFFFE003, lr  }
0x1b: {  	s9 =	sadd.s32 $0xFFFFFEF7, lr;
	s5 =	simm.s32 $0xFFFFFFFF;
	p2 =	slt.u32 s8, $0xFFFFF086  }
0x1c: {  	p1 =	slt.u32 s9, $0xF7A;
	s5 =	simm.s32 @!p2 $0x0  }
0x1d: {  	s5 =	simm.s32 @p1 $0x1;
	p0 =	seq.s32 s7, s2  }
0x1e: {  	s7 =	smul.u32 @!p0 $0xF7A, s2;
	p2 =	seq.s32 @!p0 s5, $0x0  }
0x1f: {  	s9 =	smul.u32 $0xF7A, s1;
	s8 =	simm.s32 @!p0 $0x1BF5;
	p2 =	por !p2, p0  }
0x20: {  	[sflag:s8] =	ssyncset.s32 @!p0 $0xFFFFF086;
	s6 =	sadd.s32 @!p0 s3, s7;
	s7 =	simm.s32 @!p0 $0x108  }
0x21: {  	s3 =	sadd.s32 s3, s9;
	s6 =	sadd.s32 @!p0 $0x88, s6;
	s7 =	simm.s32 @p2 $0x1082  }
0x22: {  	[simem:s7], [sflag:s8] =	dma.local @!p0 [hbm:s6], $0xF7A  }
0x23: {  	s9 =	sor.u32 $0xD0000000, s2;
	s6 =	simm.s32 $0x108;
	_ =	swait.ge @!p0 [sflag:s8], $0x0  }
0x24: {  	s3 =	sadd.s32 $0x88, s3;
	s6 =	simm.s32 @!p1 $0x1082;
	[sflag:s4] =	ssyncset.s32 $0xFFFFF086  }
0x25: {  	[simem:s6], [sflag:s4] =	dma.local [hbm:s3], $0xF7A  }
0x26: {  	[smem:$0x3F93] =	sst s1;
	(tag) =	ssettag s2;
	_ =	strace s9  }
0x27: {  	s1 =	sld [smem:$0x3FA3]  }
0x28: {  	s2 =	sld [smem:$0x3FA4]  }
0x29: {  	s4 =	sld [smem:$0x3FA6]  }
0x2a: {  	p0 =	seq.s32 s5, $0x0;
	s5 =	sld [smem:$0x3FA7]  }
0x2b: {  	s6 =	sld [smem:$0x3FA8]  }
0x2c: {  	s7 =	sld [smem:$0x3FA9]  }
0x2d: {  	s3 =	simm.s32 $0x108;
	s8 =	sld [smem:$0x3FAA]  }
0x2e: {  	s3 =	simm.s32 @!p0 $0x1082;
	s9 =	sld [smem:$0x3FAB]  }
0x2f: {  	lr =	sadd.s32 s0, s3;
	s0 =	sld [smem:$0x3FA2]  }
0x30: {  	s3 =	sld [smem:$0x3FA5]  }
0x31: {  	[smem:$0x3FAE] =	sst s10  }
0x32: {  	s10 =	sld [smem:$0x3FAC];
	_ =	sdelay $0x3  }
0x33: {  	p0 =	seq.s32 s10, $0x1;
	s10 =	sld [smem:$0x3FAE];
	_ =	sdelay $0x3  }
0x34: {  	[smem:$0x3FAE] =	sst s10  }
0x35: {  	s10 =	sld [smem:$0x3FAD];
	_ =	sdelay $0x3  }
0x36: {  	p1 =	seq.s32 s10, $0x1;
	s10 =	sld [smem:$0x3FAE];
	_ =	sdelay $0x3  }
0x37: {  	[smem:$0x3FAE] =	sst s10  }
0x38: {  	s10 =	sld [smem:$0x3FAF]  }
0x39: {  	_ = 	snop;
	(pc) =	sbr.ind lr, $3  }
0x3a: {  	_ = 	snop  }
0x3b: {  	_ = 	snop  }
0x3c: {  	p2 =	seq.s32 s10, $0x1;
	s10 =	sld [smem:$0x3FAE]  }
0x3d: {  	_ =	shalt  }
0x3e: {  	_ =	shalt  }
0x3f: {  	_ =	shalt  }
0x40: {  	_ =	shalt  }
0x41: {  	_ =	shalt  }
0x42: {  	_ =	shalt  }
0x43: {  	_ =	shalt  }
0x44: {  	_ =	shalt  }
0x45: {  	_ =	shalt  }
0x46: {  	_ =	shalt  }
0x47: {  	_ =	shalt  }
0x48: {  	_ =	shalt  }
0x49: {  	_ =	shalt  }
0x4a: {  	_ =	shalt  }
0x4b: {  	_ =	shalt  }
0x4c: {  	_ =	shalt  }
0x4d: {  	_ =	shalt  }
0x4e: {  	_ =	shalt  }
0x4f: {  	_ =	shalt  }
0x50: {  	_ =	shalt  }
0x51: {  	_ =	shalt  }
0x52: {  	_ =	shalt  }
0x53: {  	_ =	shalt  }
0x54: {  	_ =	shalt  }
0x55: {  	_ =	shalt  }
0x56: {  	_ =	shalt  }
0x57: {  	_ =	shalt  }
0x58: {  	_ =	shalt  }
0x59: {  	_ =	shalt  }
0x5a: {  	_ =	shalt  }
0x5b: {  	_ =	shalt  }
0x5c: {  	_ =	shalt  }
0x5d: {  	_ =	shalt  }
0x5e: {  	_ =	shalt  }
0x5f: {  	_ =	shalt  }
0x60: {  	_ =	shalt  }
0x61: {  	_ =	shalt  }
0x62: {  	_ =	shalt  }
0x63: {  	_ =	shalt  }
0x64: {  	_ =	shalt  }
0x65: {  	_ =	shalt  }
0x66: {  	_ =	shalt  }
0x67: {  	_ =	shalt  }
0x68: {  	_ =	shalt  }
0x69: {  	_ =	shalt  }
0x6a: {  	_ =	shalt  }
0x6b: {  	_ =	shalt  }
0x6c: {  	_ =	shalt  }
0x6d: {  	_ =	shalt  }
0x6e: {  	_ =	shalt  }
0x6f: {  	_ =	shalt  }
0x70: {  	_ =	shalt  }
0x71: {  	_ =	shalt  }
0x72: {  	_ =	shalt  }
0x73: {  	_ =	shalt  }
0x74: {  	_ =	shalt  }
0x75: {  	_ =	shalt  }
0x76: {  	_ =	shalt  }
0x77: {  	_ =	shalt  }
0x78: {  	_ =	shalt  }
0x79: {  	_ =	shalt  }
0x7a: {  	_ =	shalt  }
0x7b: {  	_ =	shalt  }
0x7c: {  	_ =	shalt  }
0x7d: {  	_ =	shalt  }
0x7e: {  	_ =	shalt  }
0x7f: {  	_ =	shalt  }
0x80: {  	_ =	shalt  }
0x81: {  	_ =	shalt  }
0x82: {  	_ =	shalt  }
0x83: {  	_ =	shalt  }
0x84: {  	_ =	shalt  }
0x85: {  	_ =	shalt  }
0x86: {  	_ =	shalt  }
0x87: {  	_ =	shalt  }
.Lfunc_end0:
.L_simem_size_0:
called_computation_lowered:
.L_overlay_start_0:
0x88: {  	s2 =	sld [smem:$0x3FD9]  }
0x89: {  	s3 =	sld [smem:$0x3FFE];
	_ =	sdelay $0x1  }
0x8a: {  	s1 =	srdreg.scid  }
0x8b: {  	s0 =	sand.u32 $0x1, s1  }
0x8c: {  	s14 =	sshll.u32 s0, $0xA;
	s2 =	sadd.s32 s3, s2  }
0x8d: {  	s2 =	sadd.s32 s2, s14  }
0x8e: {  	[smem:$0x3FBA] =	sst s2  }
0x8f: {  	_ = 	snop  }
0x90: {  	s2 =	sld [smem:$0x3FD0];
	_ =	sdelay $0x2  }
0x91: {  	s15 =	simm.s32 $0xA;
	s4 =	simm.s32 $0x10  }
0x92: {  	[smem:s4], [sflag:s15] =	dma.local [hbm:s2], $0x1  }
0x93: {  	_ =	swait.eq [sflag:s15], $0x1  }
0x94: {  	[sflag:s15] =	ssyncset.done $0x0  }
0x95: {  	s16 =	sld [smem:$0x10];
	[sflag:s15] =	ssyncadd.s32 $0xFFFFFFFF  }
0x96: {  	s17 =	sld [smem:$0x11];
	(tm) =	ssettm $0x1  }
0x97: {  	s18 =	sld [smem:$0x3FFB];
	_ =	sdelay $0x3  }
0x98: {  	_ =	strace s18  }
0x99: {  	s4 =	sld [smem:$0x3FFC];
	_ =	sdelay $0x3  }
0x9a: {  	_ =	strace s4  }
0x9b: {  	s4 =	sld [smem:$0x3FFD];
	_ =	sdelay $0x3  }
0x9c: {  	_ =	strace s4  }
0x9d: {  	_ =	strace $0x8FFFFFFF  }
0x9e: {  	s19 =	sld [smem:$0x3FDB];
	_ =	sdelay $0x1  }
0x9f: {  	s5 =	simm.s32 $_scs_section_size  }
0xa0: {  	s6 =	simm.s32 $_size__tile_overlayer_lowered;
	s7 =	simm.s32 $_tile_overlayer_lowered  }
0xa1: {  	s22 =	simm.s32 $0x1BFF;
	s21 =	sshll.u32 s7, $0x1;
	s4 =	sadd.s32 s5, s19  }
0xa2: {  	s8 =	simm.s32 $0x0;
	s20 =	sshll.u32 s6, $0x1;
	s6 =	sadd.s32 s21, s4  }
0xa3: {  	[timem:s8], [sflag:s22] =	dma.local [hbm:s6], s20  }
0xa4: {  	_ =	swait.ge [sflag:s22], s20  }
0xa5: {  	s5 =	ssub.s32 $0x0, s20;
	[sflag:s22] =	ssyncset.done $0x0  }
0xa6: {  	[sflag:s22] =	ssyncadd.s32 s5;
	_ =	sdelay $0x1  }
0xa7: {  	s23 =	simm.s32 $0x1B8B  }
0xa8: {  	_ =	swait.ge [sflag:s23], $0x1  }
0xa9: {  	[sflag:s23] =	ssyncset.done $0x0  }
0xaa: {  	s25 =	simm.s32 $0x1B8E;
	s24 =	sld [smem:$0x3FFE];
	[sflag:s23] =	ssyncadd.s32 $0xFFFFFFFF  }
0xab: {  	s26 =	simm.s32 $execute0_lowered;
	[smem:$0x3FD2] =	sst s25  }
0xac: {  	s6 =	sshll.u32 s26, $0x1;
	_ =	strace $0x80000046;
	[dreg:$0x1] =	wrdreg $0xFFFFFFFF  }
0xad: {  	s28 =	simm.s32 $_size_execute0_lowered;
	s4 =	sadd.s32 s4, s6;
	[dreg:$0x0] =	wrdreg $0x0  }
0xae: {  	s6 =	sshll.u32 s28, $0x1;
	[dreg:$0x2] =	wrdreg s4  }
0xaf: {  	[dreg:$0x3] =	wrdreg s6  }
0xb0: {  	[dreg:$0x4] =	wrdreg $0xC0  }
0xb1: {  	_ =	task [dreg:s8], $0x5FFFF  }
0xb2: {  	[dreg:$0x1] =	wrdreg $0xFFFFFFFF  }
0xb3: {  	[dreg:$0x0] =	wrdreg $0x60  }
0xb4: {  	[dreg:$0x2] =	wrdreg s16  }
0xb5: {  	[dreg:$0x3] =	wrdreg s17  }
0xb6: {  	[dreg:$0x4] =	wrdreg s24  }
0xb7: {  	[dreg:$0x5] =	wrdreg $0x9  }
0xb8: {  	_ =	task.clear_ibuf [dreg:s8], $0x6FFFF;
	_ =	strace $0x90000046  }
0xb9: {  	s29 =	simm.s32 $0x9;
	_ =	strace $0x80000048  }
0xba: {  	_ =	swait.ge [sflag:s29], $0x1  }
0xbb: {  	[sflag:s29] =	ssyncadd.s32 $0xFFFFFFFF  }
0xbc: {  	_ =	strace $0x90000048  }
0xbd: {  	_ =	sfence  }
0xbe: {  	s30 =	sld [smem:$0x0];
	_ =	sdelay $0x2  }
0xbf: {  	s31 =	sshll.u32 s1, $0xD;
	s1 =	sshrl.u32 s1, $0x2  }
0xc0: {  	s3 =	sand.u32 $0x4000, s31;
	s1 =	sadd.s32 s1, s30  }
0xc1: {  	s0 =	sor.u32 s3, s0;
	s1 =	sshll.u32 s1, $0x11  }
0xc2: {  	s0 =	sor.u32 s1, s0  }
0xc3: {  	s0 =	sadd.s32 $0x8F2B, s0  }
0xc4: {  	[sflag:s0] =	ssyncadd.remote.s32 $0x1  }
0xc5: {  	_ =	sfence.sel $0xFFFF  }
0xc6: {  	[dreg:$0x0] =	wrdreg $0xFFFFFFFF;
	(pc) =	sbr.abs _section_cstart, $3  }
0xc7: {  	[dreg:$0x1] =	wrdreg $0xFFFFFFFF  }
0xc8: {  	_ =	task.clear_ibuf [dreg:s8], $0x2FFFF;
	_ =	strace $0x9FFFFFFF  }
0xc9: {  	(tm) =	ssettm $0x7FFFFFFF  }
tec
execute0_lowered:
.L_overlay_start_1:
0x0: {  	(tag) =	ssettag $0x1  }
0x1: {  	s1 =	rddreg [dreg:$0x0]  }
0x2: {  	s5 =	rddreg [dreg:$0x1]  }
0x3: {  	s4 =	rddreg [dreg:$0x2]  }
0x4: {  	s2 =	srdreg.scid;
	s0 =	rddreg [dreg:$0x3];
	s3 =	simm.s32 $0x0  }
0x5: {  	s11 =	simm.s32 $0x50;
	s12 =	simm.s32 $0x8000;
	s13 =	simm.s32 $0xA800  }
0x6: {  	s14 =	simm.s32 $0x1;
	s15 =	simm.s32 $0x2;
	s6 =	sand.u32 $0x1, s2  }
0x7: {  	s16 =	simm.s32 $0x0;
	s2 =	stileid.u32;
	s7 =	sshll.u32 s6, $0x4  }
0x8: {  	[smem:$0x7FF] =	sst s3;
	s6 =	ssub.s32 $0x2, s6;
	s7 =	sor.u32 s2, s7  }
0x9: {  	_ =	strace $0x80000047;
	s9 =	sshrl.u32 s6, $0x1;
	s8 =	sshll.u32 s7, $0xB  }
0xa: {  	s9 =	ssub.s32 s6, s9;
	s7 =	smul.u32 $0x2710, s7;
	s10 =	sadd.s32 s8, s4  }
0xb: {  	s4 =	sadd.s32 $0x50800, s4;
	s5 =	sadd.s32 s5, s8;
	s8 =	smax.u32 s9, $0x1  }
0xc: {  	s9 =	simm.s32 $0x3;
	s6 =	sadd.s32 $0x19600, s10;
	s10 =	simm.s32 $0x4000  }
.LBB2_1:
0xd: {  	[tilespmem:s3], [sflag:$0x3] =	stream.linear.gather [hbm4b:s5+s3], $0x3E80, $0x38;
	[tilespmem:$0xD000] =	vst v63  }
0xe: {  	_ =	swait.ge [sflag:s9], $0x3E80  }
0xf: {  	[sflag:s9] =	ssyncset.done $0x0  }
0x10: {  	[sflag:s9] =	ssyncadd.s32 $0xFFFFC180  }
0x11: {  	[tilespmem:s10], [sflag:$0x3] =	stream.linear.gather [hbm4b:s6+s3], $0x3E80, $0x38;
	[tilespmem:$0xD000] =	vst v63  }
0x12: {  	_ =	swait.ge [sflag:s9], $0x3E80  }
0x13: {  	[sflag:s9] =	ssyncset.done $0x0  }
0x14: {  	s17 =	simm.s32 $0x0;
	[sflag:s9] =	ssyncadd.s32 $0xFFFFC180  }
.LBB2_2:
0x15: {  	s18 =	sshll.u32 s17, $0x7  }
0x16: {  	[tilespmem:s12], [sflag:$0x1] =	stream.indirect.gather [hbm4b:s1+s11], $0x80, s18, s11, $0xb8;
	[tilespmem:$0xD000] =	vst v63  }
0x17: {  	s18 =	sadd.s32 $0x4000, s18  }
0x18: {  	[tilespmem:s13], [sflag:$0x2] =	stream.indirect.gather [hbm4b:s1+s11], $0x80, s18, s11, $0xb8;
	[tilespmem:$0xD000] =	vst v63  }
0x19: {  	_ =	swait.ge [sflag:s14], $0x2800  }
0x1a: {  	[sflag:s14] =	ssyncset.done $0x0  }
0x1b: {  	[sflag:s14] =	ssyncadd.s32 $0xFFFFD800  }
0x1c: {  	_ =	swait.ge [sflag:s15], $0x2800  }
0x1d: {  	[sflag:s15] =	ssyncset.done $0x0  }
0x1e: {  	s18 =	simm.s32 $0x0;
	[sflag:s15] =	ssyncadd.s32 $0xFFFFD800  }
0x1f: {  	v6 =	vld [tilespmem:s18+$0xA800]  }
0x20: {  	v11 =	vld [tilespmem:s18+$0xA810]  }
0x21: {  	v5 =	vld [tilespmem:s18+$0xA820]  }
0x22: {  	v4 =	vld [tilespmem:s18+$0xA830]  }
0x23: {  	v3 =	vld [tilespmem:s18+$0xA840]  }
0x24: {  	v2 =	vld [tilespmem:s18+$0xA850]  }
0x25: {  	v1 =	vld [tilespmem:s18+$0xA860]  }
0x26: {  	v0 =	vld [tilespmem:s18+$0xA870]  }
0x27: {  	v12 =	vld [tilespmem:s18+$0x8000]  }
0x28: {  	v13 =	vld [tilespmem:s18+$0x8010]  }
0x29: {  	v10 =	vld [tilespmem:s18+$0x8020]  }
0x2a: {  	v9 =	vld [tilespmem:s18+$0x8030]  }
0x2b: {  	v8 =	vld [tilespmem:s18+$0x8040]  }
0x2c: {  	v7 =	vld [tilespmem:s18+$0x8050];
	v12 =	vadd.f32 v6, v12  }
0x2d: {  	s19 =	simm.s32 $0x200;
	v11 =	vadd.f32 v11, v13;
	v6 =	vld [tilespmem:s18+$0x8060]  }
.LBB2_3:
0x2e: {  	s20 =	sshra.s32 s19, $0x2;
	p0 =	sne.s32 s19, $0x9E00;
	v12 =	vmax.f32 v12, $0.0e+00;
	v5 =	vadd.f32 v5, v10;
	v10 =	vld [tilespmem:s18+$0x8070]  }
0x2f: {  	v13 =	vld [tilespmem:s20+$0xA800];
	[tilespmem:s18+$0x8000] =	vst v12;
	v11 =	vmax.f32 v11, $0.0e+00;
	v4 =	vadd.f32 v4, v9  }
0x30: {  	v14 =	vld [tilespmem:s20+$0xA810];
	[tilespmem:s18+$0x8010] =	vst v11;
	v9 =	vmax.f32 v5, $0.0e+00;
	v3 =	vadd.f32 v3, v8  }
0x31: {  	v5 =	vld [tilespmem:s20+$0xA820];
	[tilespmem:s18+$0x8020] =	vst v9;
	v8 =	vmax.f32 v4, $0.0e+00;
	v2 =	vadd.f32 v2, v7  }
0x32: {  	v4 =	vld [tilespmem:s20+$0xA830];
	[tilespmem:s18+$0x8030] =	vst v8;
	v7 =	vmax.f32 v3, $0.0e+00;
	v1 =	vadd.f32 v1, v6  }
0x33: {  	v3 =	vld [tilespmem:s20+$0xA840];
	[tilespmem:s18+$0x8040] =	vst v7;
	v6 =	vmax.f32 v2, $0.0e+00;
	v0 =	vadd.f32 v0, v10  }
0x34: {  	v2 =	vld [tilespmem:s20+$0xA850];
	[tilespmem:s18+$0x8050] =	vst v6;
	v6 =	vmax.f32 v1, $0.0e+00  }
0x35: {  	v1 =	vld [tilespmem:s20+$0xA860];
	[tilespmem:s18+$0x8060] =	vst v6;
	v6 =	vmax.f32 v0, $0.0e+00  }
0x36: {  	v0 =	vld [tilespmem:s20+$0xA870];
	[tilespmem:s18+$0x8070] =	vst v6;
	s18 =	smov.u32 s20  }
0x37: {  	v6 =	vld [tilespmem:s18+$0x8000]  }
0x38: {  	v11 =	vld [tilespmem:s18+$0x8010]  }
.Ltmp0:
0x39: {  	v10 =	vld [tilespmem:s18+$0x8020];
	(pc) =	sbr.rel @p0 .LBB2_3-.Ltmp0, $4  }
0x3a: {  	v9 =	vld [tilespmem:s18+$0x8030]  }
0x3b: {  	v8 =	vld [tilespmem:s18+$0x8040]  }
0x3c: {  	v12 =	vadd.f32 v13, v6;
	v7 =	vld [tilespmem:s18+$0x8050]  }
0x3d: {  	s19 =	sadd.s32 $0x200, s19;
	v11 =	vadd.f32 v14, v11;
	v6 =	vld [tilespmem:s18+$0x8060]  }
0x3e: {  	v12 =	vmax.f32 v12, $0.0e+00;
	v5 =	vadd.f32 v5, v10;
	v63 =	vld [tilespmem:s18+$0x8070]  }
0x3f: {  	[tilespmem:s18+$0x8000] =	vst v12;
	v11 =	vmax.f32 v11, $0.0e+00;
	v4 =	vadd.f32 v4, v9  }
0x40: {  	[tilespmem:s18+$0x8010] =	vst v11;
	v5 =	vmax.f32 v5, $0.0e+00;
	v3 =	vadd.f32 v3, v8  }
0x41: {  	[tilespmem:s18+$0x8020] =	vst v5;
	v4 =	vmax.f32 v4, $0.0e+00;
	v2 =	vadd.f32 v2, v7  }
0x42: {  	s19 =	smul.u32 $0x50, s17;
	[tilespmem:s18+$0x8030] =	vst v4;
	v3 =	vmax.f32 v3, $0.0e+00;
	v1 =	vadd.f32 v1, v6  }
0x43: {  	[tilespmem:s18+$0x8040] =	vst v3;
	v2 =	vmax.f32 v2, $0.0e+00;
	v0 =	vadd.f32 v0, v63  }
0x44: {  	s17 =	sadd.s32 $0x1, s17;
	s19 =	sadd.s32 s7, s19;
	[tilespmem:s18+$0x8050] =	vst v2;
	v1 =	vmax.f32 v1, $0.0e+00  }
0x45: {  	p0 =	sne.s32 s17, $0x7D;
	s19 =	sshll.u32 s19, $0x4;
	[tilespmem:s18+$0x8060] =	vst v1;
	v0 =	vmax.f32 v0, $0.0e+00  }
.Ltmp1:
0x46: {  	s31 =	sadd.s32 s4, s19;
	[tilespmem:s18+$0x8070] =	vst v0;
	(pc) =	sbr.rel @p0 .LBB2_2-.Ltmp1, $4  }
0x47: {  	[hbm4b:s31+s3] =	stream.linear.scatter [tilespmem:s12], [sflag:$0x3], $0x2800, $0x38;
	[tilespmem:$0xD000] =	vst v63  }
0x48: {  	_ =	swait.ge [sflag:s9], $0x2800  }
0x49: {  	[sflag:s9] =	ssyncset.done $0x0  }
0x4a: {  	[sflag:s9] =	ssyncadd.s32 $0xFFFFD800  }
0x4b: {  	s16 =	sadd.s32 $0x1, s16  }
0x4c: {  	p0 =	sne.s32 s16, s8  }
.Ltmp2:
0x4d: {  	_ = 	snop;
	(pc) =	sbr.rel @p0 .LBB2_1-.Ltmp2, $1  }
0x4e: {  	_ =	sdelay $0x3  }
0x4f: {  	_ =	sfence.sel $0x180000  }
0x50: {  	[bflag:$0x0] =	sbarrier.arrive $0xFFFF  }
0x51: {  	p0 =	sne.s32 s2, $0x0;
	_ =	strace $0x90000047  }
0x52: {  	s0 =	sadd.s32 @!p0 $0x100000, s0;
	[bflag:$0x2] =	sbarrier.arrive $0xFFFF  }
0x53: {  	[sflag:s0] =	ssyncadd.tile.s32 @!p0 $0x1;
	_ =	shalt  }
.Lfunc_end2:
_tile_overlayer_lowered:
.L_overlay_start_2:
0x54: {  	(tag) =	ssettag $0x2  }
0x55: {  	s0 =	rddreg [dreg:$0x0];
	s2 =	stileid.u32  }
0x56: {  	s1 =	rddreg [dreg:$0x1];
	p0 =	sne.s32 s2, $0x0  }
0x57: {  	s3 =	rddreg [dreg:$0x2];
	[bflag:$0x3] =	sbarrier.arrive $0xFFFF;
	s2 =	simm.s32 @!p0 $0x1C03  }
0x58: {  	[timem:s3], [sflag:s2] =	dma.local @!p0 [hbm:s0], s1  }
0x59: {  	s0 =	simm.s32 @!p0 $0x3  }
0x5a: {  	_ =	swait.ge @!p0 [sflag:s0], s1  }
0x5b: {  	s1 =	ssub.s32 @!p0 $0x0, s1;
	[sflag:s0] =	ssyncset.done @!p0 $0x0  }
0x5c: {  	[sflag:s0] =	ssyncadd.s32 @!p0 s1  }
0x5d: {  	[bflag:$0x3] =	sbarrier.arrive $0xFFFF  }
0x5e: {  	_ =	shalt  }

// kernel: kernel.14.cloned.1.call-start
scs
__scs_entry_jumppad:
0x0: {  	(pc) =	sbr.rel $0x88, $3  }
0x1: {  	(tag) =	ssettag $0x0;
	lr =	simm.s32 $0x1  }
0x2: {  	[smem:$0x3F93] =	sst lr;
	_ =	strace $0xD0000000  }
0x3: {  	_ = 	snop  }
0x4: {  	_ = 	snop  }
0x5: {  	_ = 	snop  }
0x6: {  	_ = 	snop  }
0x7: {  	_ = 	snop  }
__scs_overlays_trampoline_lowered:
0x8: {  	[smem:$0x3FA2] =	sst s0  }
0x9: {  	[smem:$0x3FA3] =	sst s1  }
0xa: {  	[smem:$0x3FA4] =	sst s2  }
0xb: {  	[smem:$0x3FA5] =	sst s3  }
0xc: {  	[smem:$0x3FA6] =	sst s4  }
0xd: {  	[smem:$0x3FA7] =	sst s5  }
0xe: {  	[smem:$0x3FA8] =	sst s6  }
0xf: {  	[smem:$0x3FA9] =	sst s7  }
0x10: {  	[smem:$0x3FAA] =	sst s8  }
0x11: {  	[smem:$0x3FAB] =	sst s9;
	s0 =	simm.s32 @!p0 $0x0  }
0x12: {  	s1 =	sld [smem:$0x3F91];
	s0 =	simm.s32 @p0 $0x1  }
0x13: {  	[smem:$0x3FAC] =	sst s0;
	s0 =	simm.s32 @!p1 $0x0  }
0x14: {  	s2 =	sld [smem:$0x3F90];
	s0 =	simm.s32 @p1 $0x1  }
0x15: {  	[smem:$0x3FAD] =	sst s0;
	s0 =	simm.s32 @!p2 $0x0  }
0x16: {  	s3 =	sld [smem:$0x3FDB];
	s0 =	simm.s32 @p2 $0x1  }
0x17: {  	s4 =	simm.s32 $0x1BF5;
	[smem:$0x3FAF] =	sst s0  }
0x18: {  	s0 =	sld [smem:$0x3F92];
	_ =	swait.ge [sflag:s4], $0x0  }
0x19: {  	s7 =	sld [smem:$0x3F93]  }
0x1a: {  	s8 =	sadd.s32 $0xFFFFE003, lr  }
0x1b: {  	s9 =	sadd.s32 $0xFFFFFEF7, lr;
	s5 =	simm.s32 $0xFFFFFFFF;
	p2 =	slt.u32 s8, $0xFFFFF086  }
0x1c: {  	p1 =	slt.u32 s9, $0xF7A;
	s5 =	simm.s32 @!p2 $0x0  }
0x1d: {  	s5 =	simm.s32 @p1 $0x1;
	p0 =	seq.s32 s7, s2  }
0x1e: {  	s7 =	smul.u32 @!p0 $0xF7A, s2;
	p2 =	seq.s32 @!p0 s5, $0x0  }
0x1f: {  	s9 =	smul.u32 $0xF7A, s1;
	s8 =	simm.s32 @!p0 $0x1BF5;
	p2 =	por !p2, p0  }
0x20: {  	[sflag:s8] =	ssyncset.s32 @!p0 $0xFFFFF086;
	s6 =	sadd.s32 @!p0 s3, s7;
	s7 =	simm.s32 @!p0 $0x108  }
0x21: {  	s3 =	sadd.s32 s3, s9;
	s6 =	sadd.s32 @!p0 $0x88, s6;
	s7 =	simm.s32 @p2 $0x1082  }
0x22: {  	[simem:s7], [sflag:s8] =	dma.local @!p0 [hbm:s6], $0xF7A  }
0x23: {  	s9 =	sor.u32 $0xD0000000, s2;
	s6 =	simm.s32 $0x108;
	_ =	swait.ge @!p0 [sflag:s8], $0x0  }
0x24: {  	s3 =	sadd.s32 $0x88, s3;
	s6 =	simm.s32 @!p1 $0x1082;
	[sflag:s4] =	ssyncset.s32 $0xFFFFF086  }
0x25: {  	[simem:s6], [sflag:s4] =	dma.local [hbm:s3], $0xF7A  }
0x26: {  	[smem:$0x3F93] =	sst s1;
	(tag) =	ssettag s2;
	_ =	strace s9  }
0x27: {  	s1 =	sld [smem:$0x3FA3]  }
0x28: {  	s2 =	sld [smem:$0x3FA4]  }
0x29: {  	s4 =	sld [smem:$0x3FA6]  }
0x2a: {  	p0 =	seq.s32 s5, $0x0;
	s5 =	sld [smem:$0x3FA7]  }
0x2b: {  	s6 =	sld [smem:$0x3FA8]  }
0x2c: {  	s7 =	sld [smem:$0x3FA9]  }
0x2d: {  	s3 =	simm.s32 $0x108;
	s8 =	sld [smem:$0x3FAA]  }
0x2e: {  	s3 =	simm.s32 @!p0 $0x1082;
	s9 =	sld [smem:$0x3FAB]  }
0x2f: {  	lr =	sadd.s32 s0, s3;
	s0 =	sld [smem:$0x3FA2]  }
0x30: {  	s3 =	sld [smem:$0x3FA5]  }
0x31: {  	[smem:$0x3FAE] =	sst s10  }
0x32: {  	s10 =	sld [smem:$0x3FAC];
	_ =	sdelay $0x3  }
0x33: {  	p0 =	seq.s32 s10, $0x1;
	s10 =	sld [smem:$0x3FAE];
	_ =	sdelay $0x3  }
0x34: {  	[smem:$0x3FAE] =	sst s10  }
0x35: {  	s10 =	sld [smem:$0x3FAD];
	_ =	sdelay $0x3  }
0x36: {  	p1 =	seq.s32 s10, $0x1;
	s10 =	sld [smem:$0x3FAE];
	_ =	sdelay $0x3  }
0x37: {  	[smem:$0x3FAE] =	sst s10  }
0x38: {  	s10 =	sld [smem:$0x3FAF]  }
0x39: {  	_ = 	snop;
	(pc) =	sbr.ind lr, $3  }
0x3a: {  	_ = 	snop  }
0x3b: {  	_ = 	snop  }
0x3c: {  	p2 =	seq.s32 s10, $0x1;
	s10 =	sld [smem:$0x3FAE]  }
0x3d: {  	_ =	shalt  }
0x3e: {  	_ =	shalt  }
0x3f: {  	_ =	shalt  }
0x40: {  	_ =	shalt  }
0x41: {  	_ =	shalt  }
0x42: {  	_ =	shalt  }
0x43: {  	_ =	shalt  }
0x44: {  	_ =	shalt  }
0x45: {  	_ =	shalt  }
0x46: {  	_ =	shalt  }
0x47: {  	_ =	shalt  }
0x48: {  	_ =	shalt  }
0x49: {  	_ =	shalt  }
0x4a: {  	_ =	shalt  }
0x4b: {  	_ =	shalt  }
0x4c: {  	_ =	shalt  }
0x4d: {  	_ =	shalt  }
0x4e: {  	_ =	shalt  }
0x4f: {  	_ =	shalt  }
0x50: {  	_ =	shalt  }
0x51: {  	_ =	shalt  }
0x52: {  	_ =	shalt  }
0x53: {  	_ =	shalt  }
0x54: {  	_ =	shalt  }
0x55: {  	_ =	shalt  }
0x56: {  	_ =	shalt  }
0x57: {  	_ =	shalt  }
0x58: {  	_ =	shalt  }
0x59: {  	_ =	shalt  }
0x5a: {  	_ =	shalt  }
0x5b: {  	_ =	shalt  }
0x5c: {  	_ =	shalt  }
0x5d: {  	_ =	shalt  }
0x5e: {  	_ =	shalt  }
0x5f: {  	_ =	shalt  }
0x60: {  	_ =	shalt  }
0x61: {  	_ =	shalt  }
0x62: {  	_ =	shalt  }
0x63: {  	_ =	shalt  }
0x64: {  	_ =	shalt  }
0x65: {  	_ =	shalt  }
0x66: {  	_ =	shalt  }
0x67: {  	_ =	shalt  }
0x68: {  	_ =	shalt  }
0x69: {  	_ =	shalt  }
0x6a: {  	_ =	shalt  }
0x6b: {  	_ =	shalt  }
0x6c: {  	_ =	shalt  }
0x6d: {  	_ =	shalt  }
0x6e: {  	_ =	shalt  }
0x6f: {  	_ =	shalt  }
0x70: {  	_ =	shalt  }
0x71: {  	_ =	shalt  }
0x72: {  	_ =	shalt  }
0x73: {  	_ =	shalt  }
0x74: {  	_ =	shalt  }
0x75: {  	_ =	shalt  }
0x76: {  	_ =	shalt  }
0x77: {  	_ =	shalt  }
0x78: {  	_ =	shalt  }
0x79: {  	_ =	shalt  }
0x7a: {  	_ =	shalt  }
0x7b: {  	_ =	shalt  }
0x7c: {  	_ =	shalt  }
0x7d: {  	_ =	shalt  }
0x7e: {  	_ =	shalt  }
0x7f: {  	_ =	shalt  }
0x80: {  	_ =	shalt  }
0x81: {  	_ =	shalt  }
0x82: {  	_ =	shalt  }
0x83: {  	_ =	shalt  }
0x84: {  	_ =	shalt  }
0x85: {  	_ =	shalt  }
0x86: {  	_ =	shalt  }
0x87: {  	_ =	shalt  }
.Lfunc_end0:
.L_simem_size_0:
called_computation.1_lowered:
.L_overlay_start_0:
0x88: {  	s2 =	sld [smem:$0x3FD9]  }
0x89: {  	s3 =	sld [smem:$0x3FFE];
	_ =	sdelay $0x1  }
0x8a: {  	s1 =	srdreg.scid  }
0x8b: {  	s0 =	sand.u32 $0x1, s1  }
0x8c: {  	s14 =	sshll.u32 s0, $0xA;
	s2 =	sadd.s32 s3, s2  }
0x8d: {  	s2 =	sadd.s32 s2, s14  }
0x8e: {  	[smem:$0x3FBA] =	sst s2  }
0x8f: {  	_ = 	snop  }
0x90: {  	s2 =	sld [smem:$0x3FD0];
	_ =	sdelay $0x2  }
0x91: {  	s15 =	simm.s32 $0xA;
	s4 =	simm.s32 $0x10  }
0x92: {  	[smem:s4], [sflag:s15] =	dma.local [hbm:s2], $0x1  }
0x93: {  	_ =	swait.eq [sflag:s15], $0x1  }
0x94: {  	[sflag:s15] =	ssyncset.done $0x0  }
0x95: {  	[sflag:s15] =	ssyncadd.s32 $0xFFFFFFFF  }
0x96: {  	s16 =	sld [smem:$0x10];
	(tm) =	ssettm $0x1  }
0x97: {  	s17 =	sld [smem:$0x3FFB];
	_ =	sdelay $0x3  }
0x98: {  	_ =	strace s17  }
0x99: {  	s3 =	sld [smem:$0x3FFC];
	_ =	sdelay $0x3  }
0x9a: {  	_ =	strace s3  }
0x9b: {  	s3 =	sld [smem:$0x3FFD];
	_ =	sdelay $0x3  }
0x9c: {  	_ =	strace s3  }
0x9d: {  	_ =	strace $0x8FFFFFFF  }
0x9e: {  	s18 =	sld [smem:$0x3FDB];
	_ =	sdelay $0x1  }
0x9f: {  	s19 =	simm.s32 $_scs_section_size  }
0xa0: {  	s5 =	simm.s32 $_size__tile_overlayer_lowered;
	s6 =	simm.s32 $_tile_overlayer_lowered  }
0xa1: {  	s22 =	simm.s32 $0x1BFF;
	s21 =	sshll.u32 s6, $0x1;
	s3 =	sadd.s32 s19, s18  }
0xa2: {  	s7 =	simm.s32 $0x0;
	s20 =	sshll.u32 s5, $0x1;
	s5 =	sadd.s32 s21, s3  }
0xa3: {  	[timem:s7], [sflag:s22] =	dma.local [hbm:s5], s20  }
0xa4: {  	_ =	swait.ge [sflag:s22], s20  }
0xa5: {  	s4 =	ssub.s32 $0x0, s20;
	[sflag:s22] =	ssyncset.done $0x0  }
0xa6: {  	[sflag:s22] =	ssyncadd.s32 s4;
	_ =	sdelay $0x1  }
0xa7: {  	s23 =	simm.s32 $0x1B8B  }
0xa8: {  	_ =	swait.ge [sflag:s23], $0x1  }
0xa9: {  	[sflag:s23] =	ssyncset.done $0x0  }
0xaa: {  	s25 =	simm.s32 $0x1B8E;
	s24 =	sld [smem:$0x3FFE];
	[sflag:s23] =	ssyncadd.s32 $0xFFFFFFFF  }
0xab: {  	s26 =	simm.s32 $execute0_lowered;
	[smem:$0x3FD2] =	sst s25  }
0xac: {  	s5 =	sshll.u32 s26, $0x1;
	_ =	strace $0x80000049;
	[dreg:$0x1] =	wrdreg $0xFFFFFFFF  }
0xad: {  	s28 =	simm.s32 $_size_execute0_lowered;
	s3 =	sadd.s32 s3, s5;
	[dreg:$0x0] =	wrdreg $0x0  }
0xae: {  	s5 =	sshll.u32 s28, $0x1;
	[dreg:$0x2] =	wrdreg s3  }
0xaf: {  	[dreg:$0x3] =	wrdreg s5  }
0xb0: {  	[dreg:$0x4] =	wrdreg $0xC0  }
0xb1: {  	_ =	task [dreg:s7], $0x5FFFF  }
0xb2: {  	[dreg:$0x1] =	wrdreg $0xFFFFFFFF  }
0xb3: {  	[dreg:$0x0] =	wrdreg $0x60  }
0xb4: {  	[dreg:$0x2] =	wrdreg s24  }
0xb5: {  	[dreg:$0x3] =	wrdreg s16  }
0xb6: {  	[dreg:$0x4] =	wrdreg $0x82800  }
0xb7: {  	[dreg:$0x5] =	wrdreg $0x9  }
0xb8: {  	_ =	task.clear_ibuf [dreg:s7], $0x6FFFF;
	_ =	strace $0x90000049  }
0xb9: {  	s29 =	simm.s32 $0x9;
	_ =	strace $0x8000004B  }
0xba: {  	_ =	swait.ge [sflag:s29], $0x1  }
0xbb: {  	[sflag:s29] =	ssyncadd.s32 $0xFFFFFFFF  }
0xbc: {  	_ =	strace $0x9000004B  }
0xbd: {  	_ =	sfence  }
0xbe: {  	s30 =	sld [smem:$0x0];
	_ =	sdelay $0x2  }
0xbf: {  	s31 =	sshll.u32 s1, $0xD;
	s1 =	sshrl.u32 s1, $0x2  }
0xc0: {  	s3 =	sand.u32 $0x4000, s31;
	s1 =	sadd.s32 s1, s30  }
0xc1: {  	s0 =	sor.u32 s3, s0;
	s1 =	sshll.u32 s1, $0x11  }
0xc2: {  	s0 =	sor.u32 s1, s0  }
0xc3: {  	s0 =	sadd.s32 $0x8F2B, s0  }
0xc4: {  	[sflag:s0] =	ssyncadd.remote.s32 $0x1  }
0xc5: {  	_ =	sfence.sel $0xFFFF  }
0xc6: {  	[dreg:$0x0] =	wrdreg $0xFFFFFFFF;
	(pc) =	sbr.abs _section_cstart, $3  }
0xc7: {  	[dreg:$0x1] =	wrdreg $0xFFFFFFFF  }
0xc8: {  	_ =	task.clear_ibuf [dreg:s7], $0x2FFFF;
	_ =	strace $0x9FFFFFFF  }
0xc9: {  	(tm) =	ssettm $0x7FFFFFFF  }
tec
execute0_lowered:
.L_overlay_start_1:
0x0: {  	(tag) =	ssettag $0x1  }
0x1: {  	s4 =	rddreg [dreg:$0x0]  }
0x2: {  	s5 =	rddreg [dreg:$0x1]  }
0x3: {  	s1 =	rddreg [dreg:$0x2]  }
0x4: {  	s0 =	rddreg [dreg:$0x3];
	s3 =	simm.s32 $0x0;
	s6 =	srdreg.scid  }
0x5: {  	s2 =	stileid.u32;
	s12 =	simm.s32 $0x50;
	s15 =	simm.s32 $0x20  }
0x6: {  	s16 =	simm.s32 $0x10;
	s17 =	simm.s32 $0x0;
	[smem:$0x7FF] =	sst s3  }
0x7: {  	s6 =	sand.u32 $0x1, s6;
	s8 =	sshll.u32 s2, $0xB;
	s9 =	smul.u32 $0x500, s2  }
0x8: {  	s30 =	smul.u32 $0xA00, s2;
	s13 =	sshll.u32 s2, $0x6;
	s7 =	sshll.u32 s6, $0xF  }
0x9: {  	_ =	strace $0x8000004A;
	s29 =	sshll.u32 s6, $0x7;
	s6 =	ssub.s32 $0x2, s6  }
0xa: {  	s13 =	sor.u32 $0x1C01, s13;
	s7 =	sor.u32 s8, s7;
	s8 =	sor.u32 s29, s9  }
0xb: {  	s11 =	sshrl.u32 s6, $0x1;
	s31 =	sshrl.u32 s30, $0x2;
	s9 =	simm.s32 $0x1  }
0xc: {  	s10 =	sadd.s32 s7, s4;
	s8 =	sshrl.u32 s8, $0x3;
	s11 =	ssub.s32 s6, s11  }
0xd: {  	s5 =	sadd.s32 s5, s7;
	s6 =	sadd.s32 s31, s1;
	s8 =	sadd.s32 s8, s4  }
0xe: {  	s4 =	sadd.s32 $0x19600, s10;
	s10 =	simm.s32 $0x4000;
	s14 =	sshrl.u32 s6, $0x3  }
0xf: {  	v0 =	vimm.f32 $0.0e+00;
	s7 =	sadd.s32 $0xECC00, s8;
	s8 =	smax.u32 s11, $0x1;
	s11 =	simm.s32 $0x8000  }
.LBB2_1:
0x10: {  	[tilespmem:s3], [sflag:$0x1] =	stream.linear.gather [hbm4b:s4+s3], $0x3E80, $0x38;
	[tilespmem:$0x8500] =	vst v63  }
0x11: {  	_ =	swait.ge [sflag:s9], $0x3E80  }
0x12: {  	[sflag:s9] =	ssyncset.done $0x0  }
0x13: {  	[sflag:s9] =	ssyncadd.s32 $0xFFFFC180  }
0x14: {  	[tilespmem:s10], [sflag:$0x1] =	stream.linear.gather [hbm4b:s5+s3], $0x3E80, $0x38;
	[tilespmem:$0x8500] =	vst v63  }
0x15: {  	_ =	swait.ge [sflag:s9], $0x3E80  }
0x16: {  	[sflag:s9] =	ssyncset.done $0x0  }
0x17: {  	[sflag:s9] =	ssyncadd.s32 $0xFFFFC180  }
0x18: {  	[tilespmem:$0x8000] =	vst v0  }
0x19: {  	[tilespmem:$0x8010] =	vst v0  }
0x1a: {  	[tilespmem:$0x8020] =	vst v0  }
0x1b: {  	[tilespmem:$0x8030] =	vst v0  }
0x1c: {  	[tilespmem:$0x8040] =	vst v0  }
0x1d: {  	[tilespmem:$0x8050] =	vst v0  }
0x1e: {  	[tilespmem:$0x8060] =	vst v0  }
0x1f: {  	[tilespmem:$0x8070] =	vst v0  }
0x20: {  	[tilespmem:$0x8080] =	vst v0  }
0x21: {  	[tilespmem:$0x8090] =	vst v0  }
0x22: {  	[tilespmem:$0x80A0] =	vst v0  }
0x23: {  	[tilespmem:$0x80B0] =	vst v0  }
0x24: {  	[tilespmem:$0x80C0] =	vst v0  }
0x25: {  	[tilespmem:$0x80D0] =	vst v0  }
0x26: {  	[tilespmem:$0x80E0] =	vst v0  }
0x27: {  	[tilespmem:$0x80F0] =	vst v0  }
0x28: {  	[tilespmem:$0x8100] =	vst v0  }
0x29: {  	[tilespmem:$0x8110] =	vst v0  }
0x2a: {  	[tilespmem:$0x8120] =	vst v0  }
0x2b: {  	[tilespmem:$0x8130] =	vst v0  }
0x2c: {  	[tilespmem:$0x8140] =	vst v0  }
0x2d: {  	[tilespmem:$0x8150] =	vst v0  }
0x2e: {  	[tilespmem:$0x8160] =	vst v0  }
0x2f: {  	[tilespmem:$0x8170] =	vst v0  }
0x30: {  	[tilespmem:$0x8180] =	vst v0  }
0x31: {  	[tilespmem:$0x8190] =	vst v0  }
0x32: {  	[tilespmem:$0x81A0] =	vst v0  }
0x33: {  	[tilespmem:$0x81B0] =	vst v0  }
0x34: {  	[tilespmem:$0x81C0] =	vst v0  }
0x35: {  	[tilespmem:$0x81D0] =	vst v0  }
0x36: {  	[tilespmem:$0x81E0] =	vst v0  }
0x37: {  	[tilespmem:$0x81F0] =	vst v0  }
0x38: {  	[tilespmem:$0x8200] =	vst v0  }
0x39: {  	[tilespmem:$0x8210] =	vst v0  }
0x3a: {  	[tilespmem:$0x8220] =	vst v0  }
0x3b: {  	[tilespmem:$0x8230] =	vst v0  }
0x3c: {  	[tilespmem:$0x8240] =	vst v0  }
0x3d: {  	[tilespmem:$0x8250] =	vst v0  }
0x3e: {  	[tilespmem:$0x8260] =	vst v0  }
0x3f: {  	[tilespmem:$0x8270] =	vst v0  }
0x40: {  	[spmem:s6] =	stream.linear.scatter [tilespmem:s11], [sflag:$0x1], $0x280, $0x38;
	[tilespmem:$0x8500] =	vst v63  }
0x41: {  	_ =	swait.ge [sflag:s9], $0x280  }
0x42: {  	[sflag:s9] =	ssyncset.done $0x0  }
0x43: {  	[sflag:s9] =	ssyncadd.s32 $0xFFFFFD80  }
0x44: {  	s18 =	simm.s32 $0x0;
	s19 =	simm.s32 $0x4000;
	[bflag:$0x0] =	sbarrier.arrive $0xFFFF  }
0x45: {  	[spmem:s1] =	stream.indirect.scatter.add.f32 [tilespmem:s19], [sflag:$0x1], $0x1, s18, s12, $0xb8;
	[tilespmem:$0x8500] =	vst v63  }
0x46: {  	s18 =	simm.s32 $0x200;
	_ =	swait.ge [sflag:s9], $0x50  }
.LBB2_2:
0x47: {  	s19 =	sshra.s32 s18, $0x2;
	[sflag:s9] =	ssyncset.done $0x0;
	p0 =	sne.s32 s18, $0xF800  }
.Ltmp0:
0x48: {  	s20 =	sadd.s32 $0x4000, s19;
	[sflag:s9] =	ssyncadd.s32 $0xFFFFFFB0;
	(pc) =	sbr.rel @p0 .LBB2_2-.Ltmp0, $3  }
0x49: {  	[spmem:s1] =	stream.indirect.scatter.add.f32 [tilespmem:s20], [sflag:$0x1], $0x1, s19, s12, $0xb8;
	[tilespmem:$0x8500] =	vst v63  }
0x4a: {  	s18 =	sadd.s32 $0x200, s18;
	_ =	sdelay $0x1  }
0x4b: {  	_ =	swait.ge [sflag:s9], $0x50  }
0x4c: {  	[sflag:s9] =	ssyncset.done $0x0;
	s17 =	sadd.s32 $0x1, s17  }
0x4d: {  	[sflag:s9] =	ssyncadd.s32 $0xFFFFFFB0;
	p0 =	sne.s32 s17, s8  }
.Ltmp1:
0x4e: {  	[bflag:$0x0] =	sbarrier.arrive $0xFFFF;
	(pc) =	sbr.rel @p0 .LBB2_1-.Ltmp1, $4  }
0x4f: {  	[hbm:s7@s15], [sflag:s13] =	dma.strided [spmem:s14@s16], $0x50, s9, $0x10   }
0x50: {  	_ =	swait.ge [sflag:s9], $0x50  }
0x51: {  	[sflag:s9] =	ssyncset.done $0x0  }
0x52: {  	[sflag:s9] =	ssyncadd.s32 $0xFFFFFFB0  }
0x53: {  	_ =	sfence.sel $0x180000  }
0x54: {  	[bflag:$0x0] =	sbarrier.arrive $0xFFFF  }
0x55: {  	p0 =	sne.s32 s2, $0x0;
	_ =	strace $0x9000004A  }
0x56: {  	s0 =	sadd.s32 @!p0 $0x100000, s0;
	[bflag:$0x2] =	sbarrier.arrive $0xFFFF  }
0x57: {  	[sflag:s0] =	ssyncadd.tile.s32 @!p0 $0x1;
	_ =	shalt  }
.Lfunc_end2:
_tile_overlayer_lowered:
.L_overlay_start_2:
0x58: {  	(tag) =	ssettag $0x2  }
0x59: {  	s0 =	rddreg [dreg:$0x0];
	s2 =	stileid.u32  }
0x5a: {  	s1 =	rddreg [dreg:$0x1];
	p0 =	sne.s32 s2, $0x0  }
0x5b: {  	s3 =	rddreg [dreg:$0x2];
	[bflag:$0x3] =	sbarrier.arrive $0xFFFF;
	s2 =	simm.s32 @!p0 $0x1C01  }
0x5c: {  	[timem:s3], [sflag:s2] =	dma.local @!p0 [hbm:s0], s1  }
0x5d: {  	s0 =	simm.s32 @!p0 $0x1  }
0x5e: {  	_ =	swait.ge @!p0 [sflag:s0], s1  }
0x5f: {  	s1 =	ssub.s32 @!p0 $0x0, s1;
	[sflag:s0] =	ssyncset.done @!p0 $0x0  }
0x60: {  	[sflag:s0] =	ssyncadd.s32 @!p0 s1  }
0x61: {  	[bflag:$0x3] =	sbarrier.arrive $0xFFFF  }
0x62: {  	_ =	shalt  }

// kernel: kernel.17.cloned.1.call-start
scs
__scs_entry_jumppad:
0x0: {  	(pc) =	sbr.rel $0x88, $3  }
0x1: {  	(tag) =	ssettag $0x0;
	lr =	simm.s32 $0x1  }
0x2: {  	[smem:$0x3F93] =	sst lr;
	_ =	strace $0xD0000000  }
0x3: {  	_ = 	snop  }
0x4: {  	_ = 	snop  }
0x5: {  	_ = 	snop  }
0x6: {  	_ = 	snop  }
0x7: {  	_ = 	snop  }
__scs_overlays_trampoline_lowered:
0x8: {  	[smem:$0x3FA2] =	sst s0  }
0x9: {  	[smem:$0x3FA3] =	sst s1  }
0xa: {  	[smem:$0x3FA4] =	sst s2  }
0xb: {  	[smem:$0x3FA5] =	sst s3  }
0xc: {  	[smem:$0x3FA6] =	sst s4  }
0xd: {  	[smem:$0x3FA7] =	sst s5  }
0xe: {  	[smem:$0x3FA8] =	sst s6  }
0xf: {  	[smem:$0x3FA9] =	sst s7  }
0x10: {  	[smem:$0x3FAA] =	sst s8  }
0x11: {  	[smem:$0x3FAB] =	sst s9;
	s0 =	simm.s32 @!p0 $0x0  }
0x12: {  	s1 =	sld [smem:$0x3F91];
	s0 =	simm.s32 @p0 $0x1  }
0x13: {  	[smem:$0x3FAC] =	sst s0;
	s0 =	simm.s32 @!p1 $0x0  }
0x14: {  	s2 =	sld [smem:$0x3F90];
	s0 =	simm.s32 @p1 $0x1  }
0x15: {  	[smem:$0x3FAD] =	sst s0;
	s0 =	simm.s32 @!p2 $0x0  }
0x16: {  	s3 =	sld [smem:$0x3FDB];
	s0 =	simm.s32 @p2 $0x1  }
0x17: {  	s4 =	simm.s32 $0x1BF5;
	[smem:$0x3FAF] =	sst s0  }
0x18: {  	s0 =	sld [smem:$0x3F92];
	_ =	swait.ge [sflag:s4], $0x0  }
0x19: {  	s7 =	sld [smem:$0x3F93]  }
0x1a: {  	s8 =	sadd.s32 $0xFFFFE003, lr  }
0x1b: {  	s9 =	sadd.s32 $0xFFFFFEF7, lr;
	s5 =	simm.s32 $0xFFFFFFFF;
	p2 =	slt.u32 s8, $0xFFFFF086  }
0x1c: {  	p1 =	slt.u32 s9, $0xF7A;
	s5 =	simm.s32 @!p2 $0x0  }
0x1d: {  	s5 =	simm.s32 @p1 $0x1;
	p0 =	seq.s32 s7, s2  }
0x1e: {  	s7 =	smul.u32 @!p0 $0xF7A, s2;
	p2 =	seq.s32 @!p0 s5, $0x0  }
0x1f: {  	s9 =	smul.u32 $0xF7A, s1;
	s8 =	simm.s32 @!p0 $0x1BF5;
	p2 =	por !p2, p0  }
0x20: {  	[sflag:s8] =	ssyncset.s32 @!p0 $0xFFFFF086;
	s6 =	sadd.s32 @!p0 s3, s7;
	s7 =	simm.s32 @!p0 $0x108  }
0x21: {  	s3 =	sadd.s32 s3, s9;
	s6 =	sadd.s32 @!p0 $0x88, s6;
	s7 =	simm.s32 @p2 $0x1082  }
0x22: {  	[simem:s7], [sflag:s8] =	dma.local @!p0 [hbm:s6], $0xF7A  }
0x23: {  	s9 =	sor.u32 $0xD0000000, s2;
	s6 =	simm.s32 $0x108;
	_ =	swait.ge @!p0 [sflag:s8], $0x0  }
0x24: {  	s3 =	sadd.s32 $0x88, s3;
	s6 =	simm.s32 @!p1 $0x1082;
	[sflag:s4] =	ssyncset.s32 $0xFFFFF086  }
0x25: {  	[simem:s6], [sflag:s4] =	dma.local [hbm:s3], $0xF7A  }
0x26: {  	[smem:$0x3F93] =	sst s1;
	(tag) =	ssettag s2;
	_ =	strace s9  }
0x27: {  	s1 =	sld [smem:$0x3FA3]  }
0x28: {  	s2 =	sld [smem:$0x3FA4]  }
0x29: {  	s4 =	sld [smem:$0x3FA6]  }
0x2a: {  	p0 =	seq.s32 s5, $0x0;
	s5 =	sld [smem:$0x3FA7]  }
0x2b: {  	s6 =	sld [smem:$0x3FA8]  }
0x2c: {  	s7 =	sld [smem:$0x3FA9]  }
0x2d: {  	s3 =	simm.s32 $0x108;
	s8 =	sld [smem:$0x3FAA]  }
0x2e: {  	s3 =	simm.s32 @!p0 $0x1082;
	s9 =	sld [smem:$0x3FAB]  }
0x2f: {  	lr =	sadd.s32 s0, s3;
	s0 =	sld [smem:$0x3FA2]  }
0x30: {  	s3 =	sld [smem:$0x3FA5]  }
0x31: {  	[smem:$0x3FAE] =	sst s10  }
0x32: {  	s10 =	sld [smem:$0x3FAC];
	_ =	sdelay $0x3  }
0x33: {  	p0 =	seq.s32 s10, $0x1;
	s10 =	sld [smem:$0x3FAE];
	_ =	sdelay $0x3  }
0x34: {  	[smem:$0x3FAE] =	sst s10  }
0x35: {  	s10 =	sld [smem:$0x3FAD];
	_ =	sdelay $0x3  }
0x36: {  	p1 =	seq.s32 s10, $0x1;
	s10 =	sld [smem:$0x3FAE];
	_ =	sdelay $0x3  }
0x37: {  	[smem:$0x3FAE] =	sst s10  }
0x38: {  	s10 =	sld [smem:$0x3FAF]  }
0x39: {  	_ = 	snop;
	(pc) =	sbr.ind lr, $3  }
0x3a: {  	_ = 	snop  }
0x3b: {  	_ = 	snop  }
0x3c: {  	p2 =	seq.s32 s10, $0x1;
	s10 =	sld [smem:$0x3FAE]  }
0x3d: {  	_ =	shalt  }
0x3e: {  	_ =	shalt  }
0x3f: {  	_ =	shalt  }
0x40: {  	_ =	shalt  }
0x41: {  	_ =	shalt  }
0x42: {  	_ =	shalt  }
0x43: {  	_ =	shalt  }
0x44: {  	_ =	shalt  }
0x45: {  	_ =	shalt  }
0x46: {  	_ =	shalt  }
0x47: {  	_ =	shalt  }
0x48: {  	_ =	shalt  }
0x49: {  	_ =	shalt  }
0x4a: {  	_ =	shalt  }
0x4b: {  	_ =	shalt  }
0x4c: {  	_ =	shalt  }
0x4d: {  	_ =	shalt  }
0x4e: {  	_ =	shalt  }
0x4f: {  	_ =	shalt  }
0x50: {  	_ =	shalt  }
0x51: {  	_ =	shalt  }
0x52: {  	_ =	shalt  }
0x53: {  	_ =	shalt  }
0x54: {  	_ =	shalt  }
0x55: {  	_ =	shalt  }
0x56: {  	_ =	shalt  }
0x57: {  	_ =	shalt  }
0x58: {  	_ =	shalt  }
0x59: {  	_ =	shalt  }
0x5a: {  	_ =	shalt  }
0x5b: {  	_ =	shalt  }
0x5c: {  	_ =	shalt  }
0x5d: {  	_ =	shalt  }
0x5e: {  	_ =	shalt  }
0x5f: {  	_ =	shalt  }
0x60: {  	_ =	shalt  }
0x61: {  	_ =	shalt  }
0x62: {  	_ =	shalt  }
0x63: {  	_ =	shalt  }
0x64: {  	_ =	shalt  }
0x65: {  	_ =	shalt  }
0x66: {  	_ =	shalt  }
0x67: {  	_ =	shalt  }
0x68: {  	_ =	shalt  }
0x69: {  	_ =	shalt  }
0x6a: {  	_ =	shalt  }
0x6b: {  	_ =	shalt  }
0x6c: {  	_ =	shalt  }
0x6d: {  	_ =	shalt  }
0x6e: {  	_ =	shalt  }
0x6f: {  	_ =	shalt  }
0x70: {  	_ =	shalt  }
0x71: {  	_ =	shalt  }
0x72: {  	_ =	shalt  }
0x73: {  	_ =	shalt  }
0x74: {  	_ =	shalt  }
0x75: {  	_ =	shalt  }
0x76: {  	_ =	shalt  }
0x77: {  	_ =	shalt  }
0x78: {  	_ =	shalt  }
0x79: {  	_ =	shalt  }
0x7a: {  	_ =	shalt  }
0x7b: {  	_ =	shalt  }
0x7c: {  	_ =	shalt  }
0x7d: {  	_ =	shalt  }
0x7e: {  	_ =	shalt  }
0x7f: {  	_ =	shalt  }
0x80: {  	_ =	shalt  }
0x81: {  	_ =	shalt  }
0x82: {  	_ =	shalt  }
0x83: {  	_ =	shalt  }
0x84: {  	_ =	shalt  }
0x85: {  	_ =	shalt  }
0x86: {  	_ =	shalt  }
0x87: {  	_ =	shalt  }
.Lfunc_end0:
.L_simem_size_0:
called_computation.2_lowered:
.L_overlay_start_0:
0x88: {  	s2 =	sld [smem:$0x3FD9]  }
0x89: {  	s3 =	sld [smem:$0x3FFE];
	_ =	sdelay $0x1  }
0x8a: {  	s1 =	srdreg.scid  }
0x8b: {  	s0 =	sand.u32 $0x1, s1  }
0x8c: {  	s14 =	sshll.u32 s0, $0xA;
	s2 =	sadd.s32 s3, s2  }
0x8d: {  	s2 =	sadd.s32 s2, s14  }
0x8e: {  	[smem:$0x3FBA] =	sst s2  }
0x8f: {  	_ = 	snop  }
0x90: {  	s2 =	sld [smem:$0x3FD0];
	_ =	sdelay $0x2  }
0x91: {  	s15 =	simm.s32 $0xA;
	s4 =	simm.s32 $0x10  }
0x92: {  	[smem:s4], [sflag:s15] =	dma.local [hbm:s2], $0x1  }
0x93: {  	_ =	swait.eq [sflag:s15], $0x1  }
0x94: {  	[sflag:s15] =	ssyncset.done $0x0  }
0x95: {  	[sflag:s15] =	ssyncadd.s32 $0xFFFFFFFF  }
0x96: {  	s16 =	sld [smem:$0x10];
	(tm) =	ssettm $0x1  }
0x97: {  	s17 =	sld [smem:$0x3FFB];
	_ =	sdelay $0x3  }
0x98: {  	_ =	strace s17  }
0x99: {  	s3 =	sld [smem:$0x3FFC];
	_ =	sdelay $0x3  }
0x9a: {  	_ =	strace s3  }
0x9b: {  	s3 =	sld [smem:$0x3FFD];
	_ =	sdelay $0x3  }
0x9c: {  	_ =	strace s3  }
0x9d: {  	_ =	strace $0x8FFFFFFF  }
0x9e: {  	s18 =	sld [smem:$0x3FDB];
	_ =	sdelay $0x1  }
0x9f: {  	s19 =	simm.s32 $_scs_section_size  }
0xa0: {  	s5 =	simm.s32 $_size__tile_overlayer_lowered;
	s6 =	simm.s32 $_tile_overlayer_lowered  }
0xa1: {  	s22 =	simm.s32 $0x1BFF;
	s21 =	sshll.u32 s6, $0x1;
	s3 =	sadd.s32 s19, s18  }
0xa2: {  	s7 =	simm.s32 $0x0;
	s20 =	sshll.u32 s5, $0x1;
	s5 =	sadd.s32 s21, s3  }
0xa3: {  	[timem:s7], [sflag:s22] =	dma.local [hbm:s5], s20  }
0xa4: {  	_ =	swait.ge [sflag:s22], s20  }
0xa5: {  	s4 =	ssub.s32 $0x0, s20;
	[sflag:s22] =	ssyncset.done $0x0  }
0xa6: {  	[sflag:s22] =	ssyncadd.s32 s4;
	_ =	sdelay $0x1  }
0xa7: {  	s23 =	simm.s32 $0x1B8B  }
0xa8: {  	_ =	swait.ge [sflag:s23], $0x1  }
0xa9: {  	[sflag:s23] =	ssyncset.done $0x0  }
0xaa: {  	s25 =	simm.s32 $0x1B8E;
	s24 =	sld [smem:$0x3FFE];
	[sflag:s23] =	ssyncadd.s32 $0xFFFFFFFF  }
0xab: {  	s26 =	simm.s32 $execute0_lowered;
	[smem:$0x3FD2] =	sst s25  }
0xac: {  	s5 =	sshll.u32 s26, $0x1;
	_ =	strace $0x8000004C;
	[dreg:$0x1] =	wrdreg $0xFFFFFFFF  }
0xad: {  	s28 =	simm.s32 $_size_execute0_lowered;
	s3 =	sadd.s32 s3, s5;
	[dreg:$0x0] =	wrdreg $0x0  }
0xae: {  	s5 =	sshll.u32 s28, $0x1;
	[dreg:$0x2] =	wrdreg s3  }
0xaf: {  	[dreg:$0x3] =	wrdreg s5  }
0xb0: {  	[dreg:$0x4] =	wrdreg $0xC0  }
0xb1: {  	_ =	task [dreg:s7], $0x5FFFF  }
0xb2: {  	[dreg:$0x1] =	wrdreg $0xFFFFFFFF  }
0xb3: {  	[dreg:$0x0] =	wrdreg $0x60  }
0xb4: {  	[dreg:$0x2] =	wrdreg s16  }
0xb5: {  	[dreg:$0x3] =	wrdreg s24  }
0xb6: {  	[dreg:$0x4] =	wrdreg $0x58000  }
0xb7: {  	[dreg:$0x5] =	wrdreg $0x9  }
0xb8: {  	_ =	task.clear_ibuf [dreg:s7], $0x6FFFF;
	_ =	strace $0x9000004C  }
0xb9: {  	s29 =	simm.s32 $0x9;
	_ =	strace $0x8000004E  }
0xba: {  	_ =	swait.ge [sflag:s29], $0x1  }
0xbb: {  	[sflag:s29] =	ssyncadd.s32 $0xFFFFFFFF  }
0xbc: {  	_ =	strace $0x9000004E  }
0xbd: {  	_ =	sfence  }
0xbe: {  	s30 =	sld [smem:$0x0];
	_ =	sdelay $0x2  }
0xbf: {  	s31 =	sshll.u32 s1, $0xD;
	s1 =	sshrl.u32 s1, $0x2  }
0xc0: {  	s3 =	sand.u32 $0x4000, s31;
	s1 =	sadd.s32 s1, s30  }
0xc1: {  	s0 =	sor.u32 s3, s0;
	s1 =	sshll.u32 s1, $0x11  }
0xc2: {  	s0 =	sor.u32 s1, s0  }
0xc3: {  	s0 =	sadd.s32 $0x8F2B, s0  }
0xc4: {  	[sflag:s0] =	ssyncadd.remote.s32 $0x1  }
0xc5: {  	_ =	sfence.sel $0xFFFF  }
0xc6: {  	[dreg:$0x0] =	wrdreg $0xFFFFFFFF;
	(pc) =	sbr.abs _section_cstart, $3  }
0xc7: {  	[dreg:$0x1] =	wrdreg $0xFFFFFFFF  }
0xc8: {  	_ =	task.clear_ibuf [dreg:s7], $0x2FFFF;
	_ =	strace $0x9FFFFFFF  }
0xc9: {  	(tm) =	ssettm $0x7FFFFFFF  }
tec
execute0_lowered:
.L_overlay_start_1:
0x0: {  	(tag) =	ssettag $0x1  }
0x1: {  	s1 =	rddreg [dreg:$0x0]  }
0x2: {  	s9 =	rddreg [dreg:$0x1]  }
0x3: {  	s2 =	rddreg [dreg:$0x2]  }
0x4: {  	s0 =	rddreg [dreg:$0x3];
	s4 =	simm.s32 $0x0;
	s3 =	srdreg.scid  }
0x5: {  	s15 =	simm.s32 $0x1000;
	s16 =	simm.s32 $0x2000;
	s17 =	simm.s32 $0x50  }
0x6: {  	s18 =	simm.s32 $0x3000;
	s19 =	simm.s32 $0x1;
	[smem:$0x7FF] =	sst s4  }
0x7: {  	s10 =	sand.u32 $0x1, s3;
	s3 =	stileid.u32;
	s6 =	sadd.s32 $0x101600, s9  }
0x8: {  	s5 =	sadd.s32 $0xED600, s9;
	s7 =	sadd.s32 $0x115600, s9;
	s11 =	smul.u32 $0x140000, s10  }
0x9: {  	s8 =	sadd.s32 $0x5A00, s9;
	_ =	strace $0x8000004D;
	s12 =	smul.u32 $0x14000, s3  }
0xa: {  	s28 =	ssub.s32 $0x2, s10;
	s14 =	smul.u32 $0x50000, s3;
	s29 =	sshll.u32 s10, $0x4  }
0xb: {  	s31 =	sshll.u32 s3, $0x6;
	s13 =	sshrl.u32 s28, $0x1;
	s10 =	sor.u32 s3, s29  }
0xc: {  	s11 =	sadd.s32 s12, s11;
	s12 =	ssub.s32 s28, s13;
	s30 =	sshrl.u32 s14, $0x2  }
0xd: {  	s10 =	smul.u32 $0x5000, s10;
	s11 =	sshrl.u32 s11, $0x3;
	s14 =	sadd.s32 s30, s2  }
0xe: {  	s12 =	smax.u32 s12, $0x1;
	s11 =	sadd.s32 s11, s9;
	s9 =	sor.u32 $0x1C02, s31  }
0xf: {  	s13 =	sshrl.u32 s14, $0x3;
	s14 =	simm.s32 $0x2;
	s11 =	sadd.s32 $0x8200, s11  }
.LBB2_1:
0x10: {  	[spmem:s13], [sflag:s9] =	dma.local [hbm:s8], $0x2800  }
0x11: {  	_ =	swait.ge [sflag:s14], $0x2800  }
0x12: {  	[sflag:s14] =	ssyncset.done $0x0  }
0x13: {  	[sflag:s14] =	ssyncadd.s32 $0xFFFFD800  }
0x14: {  	s20 =	simm.s32 $0x0;
	[bflag:$0x0] =	sbarrier.arrive $0xFFFF  }
.LBB2_2:
0x15: {  	s21 =	sshll.u32 s20, $0xC  }
0x16: {  	s21 =	sadd.s32 s10, s21  }
0x17: {  	s22 =	sshrl.u32 s21, $0x3  }
0x18: {  	s21 =	simm.s32 $0x0;
	s23 =	sadd.s32 s5, s22  }
0x19: {  	[tilespmem:s21], [sflag:$0x2] =	stream.linear.gather [hbm4b:s23+s21], $0xC80, $0x38;
	[tilespmem:$0x19800] =	vst v63  }
0x1a: {  	_ =	swait.ge [sflag:s14], $0xC80  }
0x1b: {  	[sflag:s14] =	ssyncset.done $0x0  }
0x1c: {  	s31 =	sadd.s32 s6, s22;
	[sflag:s14] =	ssyncadd.s32 $0xFFFFF380  }
0x1d: {  	[tilespmem:s15], [sflag:$0x2] =	stream.linear.gather [hbm4b:s31+s21], $0xC80, $0x38;
	[tilespmem:$0x19800] =	vst v63  }
0x1e: {  	_ =	swait.ge [sflag:s14], $0xC80  }
0x1f: {  	[sflag:s14] =	ssyncset.done $0x0  }
0x20: {  	s22 =	sadd.s32 s7, s22;
	[sflag:s14] =	ssyncadd.s32 $0xFFFFF380  }
0x21: {  	[tilespmem:s16], [sflag:$0x2] =	stream.linear.gather [hbm4b:s22+s21], $0xC80, $0x38;
	[tilespmem:$0x19800] =	vst v63  }
0x22: {  	_ =	swait.ge [sflag:s14], $0xC80  }
0x23: {  	[sflag:s14] =	ssyncset.done $0x0  }
0x24: {  	[sflag:s14] =	ssyncadd.s32 $0xFFFFF380  }
.LBB2_3:
0x25: {  	s22 =	sshll.u32 s21, $0x7  }
0x26: {  	[tilespmem:s18], [sflag:$0x1] =	stream.indirect.gather [hbm4b:s1+s17], $0x80, s22, s17, $0xb8;
	[tilespmem:$0x19800] =	vst v63  }
0x27: {  	_ =	swait.ge [sflag:s19], $0x2800  }
0x28: {  	s24 =	sadd.s32 $0x2000, s22;
	[sflag:s19] =	ssyncset.done $0x0  }
0x29: {  	s23 =	simm.s32 $0x3040;
	v0 =	vmov s24;
	s24 =	simm.s32 $0x0;
	[sflag:s19] =	ssyncadd.s32 $0xFFFFD800  }
.LBB2_4:
0x2a: {  	_ =	sdelay $0x2  }
0x2b: {  	s25 =	sshll.u32 s24, $0x4  }
0x2c: {  	v1 =	vld.idx.msk [tilespmem:v0+s25+$0x0 ss:$0x1], $0xffff;
	_ =	sdelay $0x1  }
0x2d: {  	v6 =	vld [tilespmem:s23+$0xFFFFFFC0]  }
0x2e: {  	v8 =	vld [tilespmem:s23+$0xFFFFFFD0];
	s31 =	simm.s32 $0x0  }
0x2f: {  	v7 =	vld [tilespmem:s23+$0xFFFFFFE0];
	v2 =	vmov s31  }
0x30: {  	v4 =	vld [tilespmem:s23+$0x0];
	v2 =	vperm.xlane v1, v2  }
0x31: {  	v5 =	vld [tilespmem:s23+$0x10]  }
0x32: {  	v3 =	vld [tilespmem:s23+$0x20];
	v9 =	vmul.f32 v6, v2  }
0x33: {  	s26 =	simm.s32 $0x1;
	s28 =	smov.u32 s23;
	s25 =	smov.u32 s23;
	v8 =	vmul.f32 v8, v2;
	v6 =	vld [tilespmem:s23+$0x30]  }
.LBB2_5:
0x34: {  	p0 =	sne.s32 s26, $0xF;
	[tilespmem:s25+$0xFFFFFFC0] =	vst v9;
	v7 =	vmul.f32 v7, v2;
	v9 =	vld [tilespmem:s25+$0xFFFFFFF0];
	s28 =	sadd.s32 $0x80, s28  }
0x35: {  	v10 =	vld [tilespmem:s28+$0xFFFFFFC0];
	[tilespmem:s25+$0xFFFFFFD0] =	vst v8;
	v4 =	vmul.f32 v4, v2  }
0x36: {  	v8 =	vld [tilespmem:s28+$0xFFFFFFD0];
	[tilespmem:s25+$0xFFFFFFE0] =	vst v7;
	v5 =	vmul.f32 v5, v2  }
.Ltmp0:
0x37: {  	v11 =	vmov s26;
	v7 =	vld [tilespmem:s28+$0xFFFFFFE0];
	[tilespmem:s25+$0x0] =	vst v4;
	v3 =	vmul.f32 v3, v2;
	(pc) =	sbr.rel @p0 .LBB2_5-.Ltmp0, $4  }
0x38: {  	v11 =	vperm.xlane v1, v11;
	v4 =	vld [tilespmem:s28+$0x0];
	[tilespmem:s25+$0x10] =	vst v5;
	v6 =	vmul.f32 v6, v2  }
0x39: {  	v5 =	vld [tilespmem:s28+$0x10];
	v12 =	vmul.f32 v9, v2;
	[tilespmem:s25+$0x20] =	vst v3  }
0x3a: {  	v2 =	vmov v11;
	v9 =	vmul.f32 v10, v11;
	v3 =	vld [tilespmem:s28+$0x20];
	[tilespmem:s25+$0x30] =	vst v6  }
0x3b: {  	s26 =	sadd.s32 $0x1, s26;
	v8 =	vmul.f32 v8, v2;
	v6 =	vld [tilespmem:s28+$0x30];
	[tilespmem:s25+$0xFFFFFFF0] =	vst v12;
	s25 =	smov.u32 s28  }
0x3c: {  	[tilespmem:s25+$0xFFFFFFC0] =	vst v9;
	v1 =	vmul.f32 v7, v2;
	v63 =	vld [tilespmem:s25+$0xFFFFFFF0]  }
0x3d: {  	s24 =	sadd.s32 $0x1, s24;
	[tilespmem:s25+$0xFFFFFFD0] =	vst v8;
	v4 =	vmul.f32 v4, v2  }
0x3e: {  	p0 =	sne.s32 s24, $0x5;
	[tilespmem:s25+$0xFFFFFFE0] =	vst v1;
	v1 =	vmul.f32 v5, v2  }
.Ltmp1:
0x3f: {  	[tilespmem:s25+$0x0] =	vst v4;
	v3 =	vmul.f32 v3, v2;
	(pc) =	sbr.rel @p0 .LBB2_4-.Ltmp1, $4  }
0x40: {  	[tilespmem:s25+$0x10] =	vst v1;
	v1 =	vmul.f32 v6, v2  }
0x41: {  	v2 =	vmul.f32 v63, v2;
	[tilespmem:s25+$0x20] =	vst v3  }
0x42: {  	[tilespmem:s25+$0x30] =	vst v1  }
0x43: {  	s23 =	sadd.s32 $0x800, s23;
	[tilespmem:s25+$0xFFFFFFF0] =	vst v2  }
0x44: {  	s21 =	sadd.s32 $0x1, s21  }
0x45: {  	p0 =	sne.s32 s21, $0x19  }
.Ltmp2:
0x46: {  	s22 =	sadd.s32 $0x1000, s22;
	(pc) =	sbr.rel @p0 .LBB2_3-.Ltmp2, $4  }
0x47: {  	[spmem:s2] =	stream.indirect.scatter.add.f32 [tilespmem:s18], [sflag:$0x2], $0x80, s22, s17, $0xb8;
	[tilespmem:$0x19800] =	vst v63  }
0x48: {  	_ =	swait.ge [sflag:s14], $0x2800  }
0x49: {  	[sflag:s14] =	ssyncset.done $0x0  }
0x4a: {  	[sflag:s14] =	ssyncadd.s32 $0xFFFFD800  }
0x4b: {  	s20 =	sadd.s32 $0x1, s20  }
0x4c: {  	p0 =	sne.s32 s20, $0x5  }
.Ltmp3:
0x4d: {  	_ = 	snop;
	(pc) =	sbr.rel @p0 .LBB2_2-.Ltmp3, $1  }
0x4e: {  	_ =	sdelay $0x3  }
0x4f: {  	s4 =	sadd.s32 $0x1, s4  }
0x50: {  	p0 =	sne.s32 s4, s12  }
.Ltmp4:
0x51: {  	[bflag:$0x0] =	sbarrier.arrive $0xFFFF;
	(pc) =	sbr.rel @p0 .LBB2_1-.Ltmp4, $4  }
0x52: {  	[hbm:s11], [sflag:s9] =	dma.local [spmem:s13], $0x2800  }
0x53: {  	_ =	swait.ge [sflag:s14], $0x2800  }
0x54: {  	[sflag:s14] =	ssyncset.done $0x0  }
0x55: {  	[sflag:s14] =	ssyncadd.s32 $0xFFFFD800  }
0x56: {  	_ =	sfence.sel $0x180000  }
0x57: {  	[bflag:$0x0] =	sbarrier.arrive $0xFFFF  }
0x58: {  	p0 =	sne.s32 s3, $0x0;
	_ =	strace $0x9000004D  }
0x59: {  	s0 =	sadd.s32 @!p0 $0x100000, s0;
	[bflag:$0x2] =	sbarrier.arrive $0xFFFF  }
0x5a: {  	[sflag:s0] =	ssyncadd.tile.s32 @!p0 $0x1;
	_ =	shalt  }
.Lfunc_end2:
_tile_overlayer_lowered:
.L_overlay_start_2:
0x5b: {  	(tag) =	ssettag $0x2  }
0x5c: {  	s0 =	rddreg [dreg:$0x0];
	s2 =	stileid.u32  }
0x5d: {  	s1 =	rddreg [dreg:$0x1];
	p0 =	sne.s32 s2, $0x0  }
0x5e: {  	s3 =	rddreg [dreg:$0x2];
	[bflag:$0x3] =	sbarrier.arrive $0xFFFF;
	s2 =	simm.s32 @!p0 $0x1C02  }
0x5f: {  	[timem:s3], [sflag:s2] =	dma.local @!p0 [hbm:s0], s1  }
0x60: {  	s0 =	simm.s32 @!p0 $0x2  }
0x61: {  	_ =	swait.ge @!p0 [sflag:s0], s1  }
0x62: {  	s1 =	ssub.s32 @!p0 $0x0, s1;
	[sflag:s0] =	ssyncset.done @!p0 $0x0  }
0x63: {  	[sflag:s0] =	ssyncadd.s32 @!p0 s1  }
0x64: {  	[bflag:$0x3] =	sbarrier.arrive $0xFFFF  }
0x65: {  	_ =	shalt  }

</sc_bundles>
